<compile_context>
chip_gen: v7x
topology: tpu7x:2x2x1
jax: 0.10.2.dev20260603
libtpu: 0.0.44.dev20260713+nightly
codegen_flags: <defaults>
</compile_context>

<pallas_src>
import functools

import jax
import jax.numpy as jnp
import numpy as np
from jax import lax
from jax.experimental import pallas as pl
from jax.experimental.pallas import tpu as pltpu
from jax.experimental.pallas import tpu_sc as plsc

VOCAB = 6400
EMB = 64
HALF = EMB // 2
SEQ = 20
KCH = SEQ // 4
BATCH = 16384
NHALVES = 2
BH = BATCH // NHALVES
NC = 2
NS = 16
NW = NC * NS
B_PER_W = BH // NW
ROWS_PER_W = B_PER_W * SEQ
CHUNK = B_PER_W * 4

_W = np.arange(128)
_PA = np.stack([(4 * k + _W // HALF) * EMB + _W % HALF for k in range(KCH)])
_PB = _PA + HALF


def _sc_gather(table_packed, idx, addrbase):
    mesh = plsc.VectorSubcoreMesh(core_axis_name="c", subcore_axis_name="s")

    @functools.partial(
        pl.kernel,
        mesh=mesh,
        out_type=jax.ShapeDtypeStruct((KCH, BH * 4, HALF), jnp.int32),
        scratch_types=[
            pltpu.VMEM((ROWS_PER_W,), jnp.int32),
            pltpu.VMEM((16,), jnp.int32),
            pltpu.VMEM((CHUNK,), jnp.int32),
            pltpu.VMEM((CHUNK,), jnp.int32),
            pltpu.VMEM((CHUNK, HALF), jnp.int32),
            pltpu.VMEM((CHUNK, HALF), jnp.int32),
            pltpu.VMEM_SHARED((VOCAB, HALF), jnp.int32),
            pltpu.SemaphoreType.DMA,
            pltpu.SemaphoreType.DMA,
            pltpu.SemaphoreType.DMA,
            pltpu.SemaphoreType.DMA,
        ],
        compiler_params=pltpu.CompilerParams(use_tc_tiling_on_sc=False,
                                             needs_layout_passes=False),
    )
    def k(table_hbm, idx_hbm, ab_hbm, out_hbm, idx_v, addr_v, ib0, ib1,
          buf0, buf1, spm_tab, g0, g1, w0, w1):
        wid = lax.axis_index("s") * NC + lax.axis_index("c")

        @pl.when(lax.axis_index("s") == 0)
        def _():
            pltpu.sync_copy(table_hbm, spm_tab)

        pltpu.sync_copy(idx_hbm.at[pl.ds(wid * ROWS_PER_W, ROWS_PER_W)],
                        idx_v)
        pltpu.sync_copy(ab_hbm, addr_v)
        plsc.subcore_barrier()

        def build(ib):
            def bb(j, carry):
                a = addr_v[...]
                ib[pl.ds(j * 16, 16)] = plsc.load_gather(idx_v, [a])
                addr_v[...] = a + 4 * SEQ
                return carry

            lax.fori_loop(0, CHUNK // 16, bb, 0)
            addr_v[...] = addr_v[...] - (ROWS_PER_W - 4)

        def gat(buf, sem, ib):
            return pltpu.async_copy(spm_tab.at[ib], buf, sem)

        def wr(kk, buf, sem):
            off = pl.multiple_of(wid * CHUNK, CHUNK)
            return pltpu.async_copy(buf, out_hbm.at[kk, pl.ds(off, CHUNK)],
                                    sem)

        ibs = (ib0, ib1)
        bufs = (buf0, buf1)
        gsem = (g0, g1)
        wsem = (w0, w1)

        build(ibs[0])
        ghs = {0: gat(bufs[0], gsem[0], ibs[0])}
        whs = {}
        for t in range(KCH):
            if t + 1 < KCH:
                build(ibs[(t + 1) % 2])
                if t >= 1:
                    whs[t - 1].wait()
                ghs[t + 1] = gat(bufs[(t + 1) % 2], gsem[(t + 1) % 2],
                                 ibs[(t + 1) % 2])
            ghs[t].wait()
            whs[t] = wr(t, bufs[t % 2], wsem[t % 2])
        whs[KCH - 2].wait()
        whs[KCH - 1].wait()

    return k(table_packed, idx, addrbase)


TB = 2048


def _mlp_body(x_ref, w1_ref, b1_ref, w2_ref, b2_ref, w3_ref, b3_ref, o_ref):
    h = None
    for k in range(KCH):
        xi = x_ref[k]
        xa = lax.bitcast_convert_type(xi << 16, jnp.float32)
        xb = lax.bitcast_convert_type(xi & jnp.int32(-65536), jnp.float32)
        d = jnp.dot(xa.astype(jnp.bfloat16), w1_ref[k, :128],
                    preferred_element_type=jnp.float32)
        d += jnp.dot(xb.astype(jnp.bfloat16), w1_ref[k, 128:],
                     preferred_element_type=jnp.float32)
        h = d if h is None else h + d
    h = jnp.maximum(h + b1_ref[...], 0.0)
    h = jnp.dot(h, w2_ref[...], preferred_element_type=jnp.float32)
    h = jnp.maximum(h + b2_ref[...], 0.0)
    o = jnp.dot(h, w3_ref[...], preferred_element_type=jnp.float32)
    o_ref[...] = o + b3_ref[...]


def _mlp(x, W1ab, b1, W2, b2, W3, b3):
    grid = (BH // TB,)
    return pl.pallas_call(
        _mlp_body,
        grid=grid,
        in_specs=[
            pl.BlockSpec((KCH, TB, 128), lambda i: (0, i, 0)),
            pl.BlockSpec((KCH, 256, 128), lambda i: (0, 0, 0)),
            pl.BlockSpec((1, 128), lambda i: (0, 0)),
            pl.BlockSpec((128, 64), lambda i: (0, 0)),
            pl.BlockSpec((1, 64), lambda i: (0, 0)),
            pl.BlockSpec((64, 2), lambda i: (0, 0)),
            pl.BlockSpec((1, 2), lambda i: (0, 0)),
        ],
        out_specs=pl.BlockSpec((TB, 2), lambda i: (i, 0)),
        out_shape=jax.ShapeDtypeStruct((BH, 2), jnp.float32),
    )(x, W1ab, b1, W2, b2, W3, b3)


def kernel(inputs, table, W1, b1, W2, b2, W3, b3):
    tb = table.astype(jnp.bfloat16)
    lo = lax.bitcast_convert_type(tb[:, :HALF], jnp.uint16).astype(jnp.uint32)
    hi = lax.bitcast_convert_type(tb[:, HALF:], jnp.uint16).astype(jnp.uint32)
    packed = lax.bitcast_convert_type((hi << 16) | lo, jnp.int32)
    addrbase = jnp.asarray(
        [(l // 4) * SEQ + l % 4 for l in range(16)], dtype=jnp.int32)
    W1ab = jnp.concatenate([W1[_PA], W1[_PB]], axis=1)
    W1ab = W1ab.astype(jnp.bfloat16)
    b1r, b2r, b3r = b1.reshape(1, -1), b2.reshape(1, -1), b3.reshape(1, -1)

    outs = []
    for h in range(NHALVES):
        idx_h = inputs[h * BH:(h + 1) * BH].astype(jnp.int32).reshape(-1)
        x = _sc_gather(packed, idx_h, addrbase)
        x = x.reshape(KCH, BH, 128)
        outs.append(_mlp(x, W1ab, b1r, W2, b2r, W3, b3r))
    return jnp.concatenate(outs, axis=0)

# --- scband reference (transcript-rebuilt; emitter-appended) ---
"""Pipeline reference for scband-simple-nnmodel-48756468744761 (READ-ONLY COPY).

The authoritative reference and input builder live on the scoring server;
editing this copy changes nothing except your own understanding.
"""

import jax, jax.numpy as jnp
import numpy as np

VOCAB = 6400
EMB = 64
SEQ = 20
BATCH = 16384

def setup_inputs(seed: int = 0) -> dict:
    key = jax.random.key(seed)
    ks = jax.random.split(key, 8)
    inputs = jax.random.randint(ks[0], (BATCH, SEQ), 0, VOCAB, dtype=jnp.int64 if jax.config.jax_enable_x64 else jnp.int32)
    table = jax.random.normal(ks[1], (VOCAB, EMB), dtype=jnp.float32) * 0.05
    flat_dim = SEQ * EMB
    W1 = jax.random.normal(ks[2], (flat_dim, 128), dtype=jnp.float32) * (1.0 / np.sqrt(flat_dim))
    b1 = jnp.zeros((128,), dtype=jnp.float32)
    W2 = jax.random.normal(ks[3], (128, 64), dtype=jnp.float32) * (1.0 / np.sqrt(128))
    b2 = jnp.zeros((64,), dtype=jnp.float32)
    W3 = jax.random.normal(ks[4], (64, 2), dtype=jnp.float32) * (1.0 / np.sqrt(64))
    b3 = jnp.zeros((2,), dtype=jnp.float32)
    return {"inputs": inputs, "table": table, "W1": W1, "b1": b1, "W2": W2, "b2": b2, "W3": W3, "b3": b3}

def reference(inputs, table, W1, b1, W2, b2, W3, b3):
    x = jnp.take(table, inputs, axis=0)            # embedding lookup [B, SEQ, EMB]
    x = x.reshape((x.shape[0], -1))                # flatten [B, SEQ*EMB]
    x = jax.nn.relu(x @ W1 + b1)                   # dense1
    x = jax.nn.relu(x @ W2 + b2)                   # dense2
    out = x @ W3 + b3                              # linear output
    return out

if __name__ == "__main__":
    import jax
    _d = setup_inputs()
    print(jax.jit(kernel)(*tuple(_d.values())))

</pallas_src>

<mosaic_0001>
#map = affine_map<(d0, d1) -> (0, 0)>
#map1 = affine_map<(d0, d1) -> (0)>
#map2 = affine_map<(d0, d1) -> (0, 0, 0)>
module attributes {stable_mosaic.version = 14 : i64} {
  func.func @k(%arg0: i32, %arg1: i32, %arg2: memref<6400x32xi32, #tpu.memory_space<hbm>>, %arg3: memref<163840xi32, #tpu.memory_space<hbm>>, %arg4: memref<16xi32, #tpu.memory_space<hbm>>, %arg5: memref<5x32768x32xi32, #tpu.memory_space<hbm>>, %arg6: memref<5120xi32, #tpu.memory_space<vmem>>, %arg7: memref<16xi32, #tpu.memory_space<vmem>>, %arg8: memref<1024xi32, #tpu.memory_space<vmem>>, %arg9: memref<1024xi32, #tpu.memory_space<vmem>>, %arg10: memref<1024x32xi32, #tpu.memory_space<vmem>>, %arg11: memref<1024x32xi32, #tpu.memory_space<vmem>>, %arg12: memref<6400x32xi32, #tpu.memory_space<vmem_shared>>, %arg13: memref<!tpu.dma_semaphore, #tpu.memory_space<semaphore_mem>>, %arg14: memref<!tpu.dma_semaphore, #tpu.memory_space<semaphore_mem>>, %arg15: memref<!tpu.dma_semaphore, #tpu.memory_space<semaphore_mem>>, %arg16: memref<!tpu.dma_semaphore, #tpu.memory_space<semaphore_mem>>) attributes {dimension_semantics = [#tpu.dimension_semantics<core_parallel>, #tpu.dimension_semantics<subcore_parallel>], iteration_bounds = array<i64: 2, 16>, scalar_prefetch = 0 : i64, scratch_operands = 11 : i64, tpu.core_type = #tpu.core_type<sc_vector_subcore>, window_params = [{transform_indices = #map}, {transform_indices = #map1}, {transform_indices = #map1}, {transform_indices = #map2}]} {
    %mul3A = arith.constant 2 : i32
    %mul3A_0 = arith.muli %arg1, %mul3A : i32
    %add3A = arith.addi %mul3A_0, %arg0 : i32
    %eq3A = arith.constant 0 : i32
    %eq3A_1 = arith.cmpi eq, %arg1, %eq3A : i32
    %convert_element_type3A = arith.extui %eq3A_1 : i1 to i32
    %cond3A = arith.constant 0 : i32
    %cond3A_2 = arith.cmpi ne, %convert_element_type3A, %cond3A : i32
    scf.if %cond3A_2 {
      "tpu.region"() ({
        %run_scoped3A = tpu.sem_alloc : memref<!tpu.dma_semaphore, #tpu.memory_space<semaphore_mem>>
        tpu.enqueue_dma source(%arg2 : memref<6400x32xi32, #tpu.memory_space<hbm>>) target(%arg12 : memref<6400x32xi32, #tpu.memory_space<vmem_shared>>) target_semaphore(%run_scoped3A : memref<!tpu.dma_semaphore, #tpu.memory_space<semaphore_mem>>)
        tpu.wait_dma2 semaphore(%run_scoped3A : memref<!tpu.dma_semaphore, #tpu.memory_space<semaphore_mem>>) src(%arg2 : memref<6400x32xi32, #tpu.memory_space<hbm>>) dst(%arg12 : memref<6400x32xi32, #tpu.memory_space<vmem_shared>>)
        tpu.yield
      }) : () -> ()
    } else {
    }
    %mul3A_3 = arith.constant 5120 : i32
    %mul3A_4 = arith.muli %add3A, %mul3A_3 : i32
    "tpu.region"() ({
      %run_scoped3A = tpu.sem_alloc : memref<!tpu.dma_semaphore, #tpu.memory_space<semaphore_mem>>
      %dma_start3A_178 = tpu.memref_slice %arg3[%mul3A_4] : memref<163840xi32, #tpu.memory_space<hbm>> -> memref<5120xi32, #tpu.memory_space<hbm>>
      %dma_start3A_179 = tpu.memref_slice %arg3[%mul3A_4] : memref<163840xi32, #tpu.memory_space<hbm>> -> memref<5120xi32, #tpu.memory_space<hbm>>
      tpu.enqueue_dma source(%dma_start3A_179 : memref<5120xi32, #tpu.memory_space<hbm>>) target(%arg6 : memref<5120xi32, #tpu.memory_space<vmem>>) target_semaphore(%run_scoped3A : memref<!tpu.dma_semaphore, #tpu.memory_space<semaphore_mem>>)
      %dma_wait3A_180 = tpu.memref_slice %arg3[%mul3A_4] : memref<163840xi32, #tpu.memory_space<hbm>> -> memref<5120xi32, #tpu.memory_space<hbm>>
      %dma_wait3A_181 = tpu.memref_slice %arg3[%mul3A_4] : memref<163840xi32, #tpu.memory_space<hbm>> -> memref<5120xi32, #tpu.memory_space<hbm>>
      tpu.wait_dma2 semaphore(%run_scoped3A : memref<!tpu.dma_semaphore, #tpu.memory_space<semaphore_mem>>) src(%dma_wait3A_181 : memref<5120xi32, #tpu.memory_space<hbm>>) dst(%arg6 : memref<5120xi32, #tpu.memory_space<vmem>>)
      tpu.yield
    }) : () -> ()
    "tpu.region"() ({
      %run_scoped3A = tpu.sem_alloc : memref<!tpu.dma_semaphore, #tpu.memory_space<semaphore_mem>>
      tpu.enqueue_dma source(%arg4 : memref<16xi32, #tpu.memory_space<hbm>>) target(%arg7 : memref<16xi32, #tpu.memory_space<vmem>>) target_semaphore(%run_scoped3A : memref<!tpu.dma_semaphore, #tpu.memory_space<semaphore_mem>>)
      tpu.wait_dma2 semaphore(%run_scoped3A : memref<!tpu.dma_semaphore, #tpu.memory_space<semaphore_mem>>) src(%arg4 : memref<16xi32, #tpu.memory_space<hbm>>) dst(%arg7 : memref<16xi32, #tpu.memory_space<vmem>>)
      tpu.yield
    }) : () -> ()
    %barrier3A = arith.constant 0 : index
    tpu.barrier barrier_id(%barrier3A)
    %scan3A = arith.constant 0 : i32
    %scan3A_5 = arith.constant 0 : i32
    %scan3A_6 = arith.constant 64 : i32
    %scan3A_7 = arith.addi %scan3A_5, %scan3A_6 : i32
    %scan3A_8 = arith.constant 1 : i32
    scf.for %scan3A_178 = %scan3A_5 to %scan3A_7 step %scan3A_8  : i32 {
      %get3A_179 = arith.constant 0 : index
      %get3A_180 = tpu.vector_load %arg7[%get3A_179] {strides = array<i32>} : memref<16xi32, #tpu.memory_space<vmem>>, vector<16xi32>,
      %gather3A = tpu.vector_load_idx %arg6[%get3A_180] : memref<5120xi32, #tpu.memory_space<vmem>>[vector<16xi32>], vector<16xi32>,
      %mul3A_181 = arith.constant 16 : i32
      %mul3A_182 = arith.muli %scan3A_178, %mul3A_181 : i32
      %swap3A_183 = arith.index_cast %mul3A_182 : i32 to index
      %swap3A_184 = tpu.vector_load %arg8[%swap3A_183] {strides = array<i32>} : memref<1024xi32, #tpu.memory_space<vmem>>, vector<16xi32>,
      tpu.vector_store %arg8[%swap3A_183], %gather3A {strides = array<i32>} : memref<1024xi32, #tpu.memory_space<vmem>>, vector<16xi32>,
      %add3A_185 = arith.constant 80 : i32
      %add3A_186 = vector.broadcast %add3A_185 : i32 to vector<16xi32>
      %add3A_187 = arith.addi %get3A_180, %add3A_186 : vector<16xi32>
      %swap3A_188 = arith.constant 0 : index
      %swap3A_189 = tpu.vector_load %arg7[%swap3A_188] {strides = array<i32>} : memref<16xi32, #tpu.memory_space<vmem>>, vector<16xi32>,
      tpu.vector_store %arg7[%swap3A_188], %add3A_187 {strides = array<i32>} : memref<16xi32, #tpu.memory_space<vmem>>, vector<16xi32>,
    }
    %scan3A_9 = arith.constant 64 : i32
    %get3A = arith.constant 0 : index
    %get3A_10 = tpu.vector_load %arg7[%get3A] {strides = array<i32>} : memref<16xi32, #tpu.memory_space<vmem>>, vector<16xi32>,
    %sub3A = arith.constant 5116 : i32
    %sub3A_11 = vector.broadcast %sub3A : i32 to vector<16xi32>
    %sub3A_12 = arith.subi %get3A_10, %sub3A_11 : vector<16xi32>
    %swap3A = arith.constant 0 : index
    %swap3A_13 = tpu.vector_load %arg7[%swap3A] {strides = array<i32>} : memref<16xi32, #tpu.memory_space<vmem>>, vector<16xi32>,
    tpu.vector_store %arg7[%swap3A], %sub3A_12 {strides = array<i32>} : memref<16xi32, #tpu.memory_space<vmem>>, vector<16xi32>,
    %dma_start3A = arith.constant 0 : i32
    %dma_start3A_14 = arith.constant 0 : i32
    %dma_start3A_15 = tpu.memref_slice %arg12[%dma_start3A, %dma_start3A_14] : memref<6400x32xi32, #tpu.memory_space<vmem_shared>> -> memref<6400x32xi32, #tpu.memory_space<vmem_shared>>
    tpu.enqueue_indirect_dma source(%dma_start3A_15 : memref<6400x32xi32, #tpu.memory_space<vmem_shared>>) target(%arg10 : memref<1024x32xi32, #tpu.memory_space<vmem>>) offsets(%arg8 : memref<1024xi32, #tpu.memory_space<vmem>>) semaphore(%arg13 : memref<!tpu.dma_semaphore, #tpu.memory_space<semaphore_mem>>)
    %scan3A_16 = arith.constant 0 : i32
    %scan3A_17 = arith.constant 0 : i32
    %scan3A_18 = arith.constant 64 : i32
    %scan3A_19 = arith.addi %scan3A_17, %scan3A_18 : i32
    %scan3A_20 = arith.constant 1 : i32
    scf.for %scan3A_178 = %scan3A_17 to %scan3A_19 step %scan3A_20  : i32 {
      %get3A_179 = arith.constant 0 : index
      %get3A_180 = tpu.vector_load %arg7[%get3A_179] {strides = array<i32>} : memref<16xi32, #tpu.memory_space<vmem>>, vector<16xi32>,
      %gather3A = tpu.vector_load_idx %arg6[%get3A_180] : memref<5120xi32, #tpu.memory_space<vmem>>[vector<16xi32>], vector<16xi32>,
      %mul3A_181 = arith.constant 16 : i32
      %mul3A_182 = arith.muli %scan3A_178, %mul3A_181 : i32
      %swap3A_183 = arith.index_cast %mul3A_182 : i32 to index
      %swap3A_184 = tpu.vector_load %arg9[%swap3A_183] {strides = array<i32>} : memref<1024xi32, #tpu.memory_space<vmem>>, vector<16xi32>,
      tpu.vector_store %arg9[%swap3A_183], %gather3A {strides = array<i32>} : memref<1024xi32, #tpu.memory_space<vmem>>, vector<16xi32>,
      %add3A_185 = arith.constant 80 : i32
      %add3A_186 = vector.broadcast %add3A_185 : i32 to vector<16xi32>
      %add3A_187 = arith.addi %get3A_180, %add3A_186 : vector<16xi32>
      %swap3A_188 = arith.constant 0 : index
      %swap3A_189 = tpu.vector_load %arg7[%swap3A_188] {strides = array<i32>} : memref<16xi32, #tpu.memory_space<vmem>>, vector<16xi32>,
      tpu.vector_store %arg7[%swap3A_188], %add3A_187 {strides = array<i32>} : memref<16xi32, #tpu.memory_space<vmem>>, vector<16xi32>,
    }
    %scan3A_21 = arith.constant 64 : i32
    %get3A_22 = arith.constant 0 : index
    %get3A_23 = tpu.vector_load %arg7[%get3A_22] {strides = array<i32>} : memref<16xi32, #tpu.memory_space<vmem>>, vector<16xi32>,
    %sub3A_24 = arith.constant 5116 : i32
    %sub3A_25 = vector.broadcast %sub3A_24 : i32 to vector<16xi32>
    %sub3A_26 = arith.subi %get3A_23, %sub3A_25 : vector<16xi32>
    %swap3A_27 = arith.constant 0 : index
    %swap3A_28 = tpu.vector_load %arg7[%swap3A_27] {strides = array<i32>} : memref<16xi32, #tpu.memory_space<vmem>>, vector<16xi32>,
    tpu.vector_store %arg7[%swap3A_27], %sub3A_26 {strides = array<i32>} : memref<16xi32, #tpu.memory_space<vmem>>, vector<16xi32>,
    %dma_start3A_29 = arith.constant 0 : i32
    %dma_start3A_30 = arith.constant 0 : i32
    %dma_start3A_31 = tpu.memref_slice %arg12[%dma_start3A_29, %dma_start3A_30] : memref<6400x32xi32, #tpu.memory_space<vmem_shared>> -> memref<6400x32xi32, #tpu.memory_space<vmem_shared>>
    tpu.enqueue_indirect_dma source(%dma_start3A_31 : memref<6400x32xi32, #tpu.memory_space<vmem_shared>>) target(%arg11 : memref<1024x32xi32, #tpu.memory_space<vmem>>) offsets(%arg9 : memref<1024xi32, #tpu.memory_space<vmem>>) semaphore(%arg14 : memref<!tpu.dma_semaphore, #tpu.memory_space<semaphore_mem>>)
    %dma_wait3A = arith.constant 0 : i32
    %dma_wait3A_32 = arith.constant 0 : i32
    %dma_wait3A_33 = tpu.memref_slice %arg12[%dma_wait3A, %dma_wait3A_32] : memref<6400x32xi32, #tpu.memory_space<vmem_shared>> -> memref<6400x32xi32, #tpu.memory_space<vmem_shared>>
    tpu.wait_indirect_dma semaphore(%arg13 : memref<!tpu.dma_semaphore, #tpu.memory_space<semaphore_mem>>) src(%dma_wait3A_33 : memref<6400x32xi32, #tpu.memory_space<vmem_shared>>) dst(%arg10 : memref<1024x32xi32, #tpu.memory_space<vmem>>)
    %mul3A_34 = arith.constant 1024 : i32
    %mul3A_35 = arith.muli %add3A, %mul3A_34 : i32
    %multiple_of3A = tpu.assume_multiple %mul3A_35, 1024 : i32
    %dma_start3A_36 = arith.constant 0 : i32
    %dma_start3A_37 = arith.constant 0 : i32
    %dma_start3A_38 = tpu.memref_slice %arg5[%dma_start3A_36, %multiple_of3A, %dma_start3A_37] : memref<5x32768x32xi32, #tpu.memory_space<hbm>> -> memref<1x1024x32xi32, #tpu.memory_space<hbm>>
    %dma_start3A_39 = tpu.memref_squeeze %dma_start3A_38 : memref<1x1024x32xi32, #tpu.memory_space<hbm>> -> memref<1024x32xi32, #tpu.memory_space<hbm>>
    %dma_start3A_40 = arith.constant 0 : i32
    %dma_start3A_41 = tpu.memref_slice %arg5[%dma_start3A_36, %multiple_of3A, %dma_start3A_40] : memref<5x32768x32xi32, #tpu.memory_space<hbm>> -> memref<1x1024x32xi32, #tpu.memory_space<hbm>>
    %dma_start3A_42 = tpu.memref_squeeze %dma_start3A_41 : memref<1x1024x32xi32, #tpu.memory_space<hbm>> -> memref<1024x32xi32, #tpu.memory_space<hbm>>
    tpu.enqueue_dma source(%arg10 : memref<1024x32xi32, #tpu.memory_space<vmem>>) target(%dma_start3A_42 : memref<1024x32xi32, #tpu.memory_space<hbm>>) target_semaphore(%arg15 : memref<!tpu.dma_semaphore, #tpu.memory_space<semaphore_mem>>)
    %scan3A_43 = arith.constant 0 : i32
    %scan3A_44 = arith.constant 0 : i32
    %scan3A_45 = arith.constant 64 : i32
    %scan3A_46 = arith.addi %scan3A_44, %scan3A_45 : i32
    %scan3A_47 = arith.constant 1 : i32
    scf.for %scan3A_178 = %scan3A_44 to %scan3A_46 step %scan3A_47  : i32 {
      %get3A_179 = arith.constant 0 : index
      %get3A_180 = tpu.vector_load %arg7[%get3A_179] {strides = array<i32>} : memref<16xi32, #tpu.memory_space<vmem>>, vector<16xi32>,
      %gather3A = tpu.vector_load_idx %arg6[%get3A_180] : memref<5120xi32, #tpu.memory_space<vmem>>[vector<16xi32>], vector<16xi32>,
      %mul3A_181 = arith.constant 16 : i32
      %mul3A_182 = arith.muli %scan3A_178, %mul3A_181 : i32
      %swap3A_183 = arith.index_cast %mul3A_182 : i32 to index
      %swap3A_184 = tpu.vector_load %arg8[%swap3A_183] {strides = array<i32>} : memref<1024xi32, #tpu.memory_space<vmem>>, vector<16xi32>,
      tpu.vector_store %arg8[%swap3A_183], %gather3A {strides = array<i32>} : memref<1024xi32, #tpu.memory_space<vmem>>, vector<16xi32>,
      %add3A_185 = arith.constant 80 : i32
      %add3A_186 = vector.broadcast %add3A_185 : i32 to vector<16xi32>
      %add3A_187 = arith.addi %get3A_180, %add3A_186 : vector<16xi32>
      %swap3A_188 = arith.constant 0 : index
      %swap3A_189 = tpu.vector_load %arg7[%swap3A_188] {strides = array<i32>} : memref<16xi32, #tpu.memory_space<vmem>>, vector<16xi32>,
      tpu.vector_store %arg7[%swap3A_188], %add3A_187 {strides = array<i32>} : memref<16xi32, #tpu.memory_space<vmem>>, vector<16xi32>,
    }
    %scan3A_48 = arith.constant 64 : i32
    %get3A_49 = arith.constant 0 : index
    %get3A_50 = tpu.vector_load %arg7[%get3A_49] {strides = array<i32>} : memref<16xi32, #tpu.memory_space<vmem>>, vector<16xi32>,
    %sub3A_51 = arith.constant 5116 : i32
    %sub3A_52 = vector.broadcast %sub3A_51 : i32 to vector<16xi32>
    %sub3A_53 = arith.subi %get3A_50, %sub3A_52 : vector<16xi32>
    %swap3A_54 = arith.constant 0 : index
    %swap3A_55 = tpu.vector_load %arg7[%swap3A_54] {strides = array<i32>} : memref<16xi32, #tpu.memory_space<vmem>>, vector<16xi32>,
    tpu.vector_store %arg7[%swap3A_54], %sub3A_53 {strides = array<i32>} : memref<16xi32, #tpu.memory_space<vmem>>, vector<16xi32>,
    %dma_wait3A_56 = arith.constant 0 : i32
    %dma_wait3A_57 = arith.constant 0 : i32
    %dma_wait3A_58 = tpu.memref_slice %arg5[%dma_wait3A_56, %multiple_of3A, %dma_wait3A_57] : memref<5x32768x32xi32, #tpu.memory_space<hbm>> -> memref<1x1024x32xi32, #tpu.memory_space<hbm>>
    %dma_wait3A_59 = tpu.memref_squeeze %dma_wait3A_58 : memref<1x1024x32xi32, #tpu.memory_space<hbm>> -> memref<1024x32xi32, #tpu.memory_space<hbm>>
    %dma_wait3A_60 = arith.constant 0 : i32
    %dma_wait3A_61 = tpu.memref_slice %arg5[%dma_wait3A_56, %multiple_of3A, %dma_wait3A_60] : memref<5x32768x32xi32, #tpu.memory_space<hbm>> -> memref<1x1024x32xi32, #tpu.memory_space<hbm>>
    %dma_wait3A_62 = tpu.memref_squeeze %dma_wait3A_61 : memref<1x1024x32xi32, #tpu.memory_space<hbm>> -> memref<1024x32xi32, #tpu.memory_space<hbm>>
    tpu.wait_dma2 semaphore(%arg15 : memref<!tpu.dma_semaphore, #tpu.memory_space<semaphore_mem>>) src(%arg10 : memref<1024x32xi32, #tpu.memory_space<vmem>>) dst(%dma_wait3A_62 : memref<1024x32xi32, #tpu.memory_space<hbm>>)
    %dma_start3A_63 = arith.constant 0 : i32
    %dma_start3A_64 = arith.constant 0 : i32
    %dma_start3A_65 = tpu.memref_slice %arg12[%dma_start3A_63, %dma_start3A_64] : memref<6400x32xi32, #tpu.memory_space<vmem_shared>> -> memref<6400x32xi32, #tpu.memory_space<vmem_shared>>
    tpu.enqueue_indirect_dma source(%dma_start3A_65 : memref<6400x32xi32, #tpu.memory_space<vmem_shared>>) target(%arg10 : memref<1024x32xi32, #tpu.memory_space<vmem>>) offsets(%arg8 : memref<1024xi32, #tpu.memory_space<vmem>>) semaphore(%arg13 : memref<!tpu.dma_semaphore, #tpu.memory_space<semaphore_mem>>)
    %dma_wait3A_66 = arith.constant 0 : i32
    %dma_wait3A_67 = arith.constant 0 : i32
    %dma_wait3A_68 = tpu.memref_slice %arg12[%dma_wait3A_66, %dma_wait3A_67] : memref<6400x32xi32, #tpu.memory_space<vmem_shared>> -> memref<6400x32xi32, #tpu.memory_space<vmem_shared>>
    tpu.wait_indirect_dma semaphore(%arg14 : memref<!tpu.dma_semaphore, #tpu.memory_space<semaphore_mem>>) src(%dma_wait3A_68 : memref<6400x32xi32, #tpu.memory_space<vmem_shared>>) dst(%arg11 : memref<1024x32xi32, #tpu.memory_space<vmem>>)
    %mul3A_69 = arith.constant 1024 : i32
    %mul3A_70 = arith.muli %add3A, %mul3A_69 : i32
    %multiple_of3A_71 = tpu.assume_multiple %mul3A_70, 1024 : i32
    %dma_start3A_72 = arith.constant 1 : i32
    %dma_start3A_73 = arith.constant 0 : i32
    %dma_start3A_74 = tpu.memref_slice %arg5[%dma_start3A_72, %multiple_of3A_71, %dma_start3A_73] : memref<5x32768x32xi32, #tpu.memory_space<hbm>> -> memref<1x1024x32xi32, #tpu.memory_space<hbm>>
    %dma_start3A_75 = tpu.memref_squeeze %dma_start3A_74 : memref<1x1024x32xi32, #tpu.memory_space<hbm>> -> memref<1024x32xi32, #tpu.memory_space<hbm>>
    %dma_start3A_76 = arith.constant 0 : i32
    %dma_start3A_77 = tpu.memref_slice %arg5[%dma_start3A_72, %multiple_of3A_71, %dma_start3A_76] : memref<5x32768x32xi32, #tpu.memory_space<hbm>> -> memref<1x1024x32xi32, #tpu.memory_space<hbm>>
    %dma_start3A_78 = tpu.memref_squeeze %dma_start3A_77 : memref<1x1024x32xi32, #tpu.memory_space<hbm>> -> memref<1024x32xi32, #tpu.memory_space<hbm>>
    tpu.enqueue_dma source(%arg11 : memref<1024x32xi32, #tpu.memory_space<vmem>>) target(%dma_start3A_78 : memref<1024x32xi32, #tpu.memory_space<hbm>>) target_semaphore(%arg16 : memref<!tpu.dma_semaphore, #tpu.memory_space<semaphore_mem>>)
    %scan3A_79 = arith.constant 0 : i32
    %scan3A_80 = arith.constant 0 : i32
    %scan3A_81 = arith.constant 64 : i32
    %scan3A_82 = arith.addi %scan3A_80, %scan3A_81 : i32
    %scan3A_83 = arith.constant 1 : i32
    scf.for %scan3A_178 = %scan3A_80 to %scan3A_82 step %scan3A_83  : i32 {
      %get3A_179 = arith.constant 0 : index
      %get3A_180 = tpu.vector_load %arg7[%get3A_179] {strides = array<i32>} : memref<16xi32, #tpu.memory_space<vmem>>, vector<16xi32>,
      %gather3A = tpu.vector_load_idx %arg6[%get3A_180] : memref<5120xi32, #tpu.memory_space<vmem>>[vector<16xi32>], vector<16xi32>,
      %mul3A_181 = arith.constant 16 : i32
      %mul3A_182 = arith.muli %scan3A_178, %mul3A_181 : i32
      %swap3A_183 = arith.index_cast %mul3A_182 : i32 to index
      %swap3A_184 = tpu.vector_load %arg9[%swap3A_183] {strides = array<i32>} : memref<1024xi32, #tpu.memory_space<vmem>>, vector<16xi32>,
      tpu.vector_store %arg9[%swap3A_183], %gather3A {strides = array<i32>} : memref<1024xi32, #tpu.memory_space<vmem>>, vector<16xi32>,
      %add3A_185 = arith.constant 80 : i32
      %add3A_186 = vector.broadcast %add3A_185 : i32 to vector<16xi32>
      %add3A_187 = arith.addi %get3A_180, %add3A_186 : vector<16xi32>
      %swap3A_188 = arith.constant 0 : index
      %swap3A_189 = tpu.vector_load %arg7[%swap3A_188] {strides = array<i32>} : memref<16xi32, #tpu.memory_space<vmem>>, vector<16xi32>,
      tpu.vector_store %arg7[%swap3A_188], %add3A_187 {strides = array<i32>} : memref<16xi32, #tpu.memory_space<vmem>>, vector<16xi32>,
    }
    %scan3A_84 = arith.constant 64 : i32
    %get3A_85 = arith.constant 0 : index
    %get3A_86 = tpu.vector_load %arg7[%get3A_85] {strides = array<i32>} : memref<16xi32, #tpu.memory_space<vmem>>, vector<16xi32>,
    %sub3A_87 = arith.constant 5116 : i32
    %sub3A_88 = vector.broadcast %sub3A_87 : i32 to vector<16xi32>
    %sub3A_89 = arith.subi %get3A_86, %sub3A_88 : vector<16xi32>
    %swap3A_90 = arith.constant 0 : index
    %swap3A_91 = tpu.vector_load %arg7[%swap3A_90] {strides = array<i32>} : memref<16xi32, #tpu.memory_space<vmem>>, vector<16xi32>,
    tpu.vector_store %arg7[%swap3A_90], %sub3A_89 {strides = array<i32>} : memref<16xi32, #tpu.memory_space<vmem>>, vector<16xi32>,
    %dma_wait3A_92 = arith.constant 1 : i32
    %dma_wait3A_93 = arith.constant 0 : i32
    %dma_wait3A_94 = tpu.memref_slice %arg5[%dma_wait3A_92, %multiple_of3A_71, %dma_wait3A_93] : memref<5x32768x32xi32, #tpu.memory_space<hbm>> -> memref<1x1024x32xi32, #tpu.memory_space<hbm>>
    %dma_wait3A_95 = tpu.memref_squeeze %dma_wait3A_94 : memref<1x1024x32xi32, #tpu.memory_space<hbm>> -> memref<1024x32xi32, #tpu.memory_space<hbm>>
    %dma_wait3A_96 = arith.constant 0 : i32
    %dma_wait3A_97 = tpu.memref_slice %arg5[%dma_wait3A_92, %multiple_of3A_71, %dma_wait3A_96] : memref<5x32768x32xi32, #tpu.memory_space<hbm>> -> memref<1x1024x32xi32, #tpu.memory_space<hbm>>
    %dma_wait3A_98 = tpu.memref_squeeze %dma_wait3A_97 : memref<1x1024x32xi32, #tpu.memory_space<hbm>> -> memref<1024x32xi32, #tpu.memory_space<hbm>>
    tpu.wait_dma2 semaphore(%arg16 : memref<!tpu.dma_semaphore, #tpu.memory_space<semaphore_mem>>) src(%arg11 : memref<1024x32xi32, #tpu.memory_space<vmem>>) dst(%dma_wait3A_98 : memref<1024x32xi32, #tpu.memory_space<hbm>>)
    %dma_start3A_99 = arith.constant 0 : i32
    %dma_start3A_100 = arith.constant 0 : i32
    %dma_start3A_101 = tpu.memref_slice %arg12[%dma_start3A_99, %dma_start3A_100] : memref<6400x32xi32, #tpu.memory_space<vmem_shared>> -> memref<6400x32xi32, #tpu.memory_space<vmem_shared>>
    tpu.enqueue_indirect_dma source(%dma_start3A_101 : memref<6400x32xi32, #tpu.memory_space<vmem_shared>>) target(%arg11 : memref<1024x32xi32, #tpu.memory_space<vmem>>) offsets(%arg9 : memref<1024xi32, #tpu.memory_space<vmem>>) semaphore(%arg14 : memref<!tpu.dma_semaphore, #tpu.memory_space<semaphore_mem>>)
    %dma_wait3A_102 = arith.constant 0 : i32
    %dma_wait3A_103 = arith.constant 0 : i32
    %dma_wait3A_104 = tpu.memref_slice %arg12[%dma_wait3A_102, %dma_wait3A_103] : memref<6400x32xi32, #tpu.memory_space<vmem_shared>> -> memref<6400x32xi32, #tpu.memory_space<vmem_shared>>
    tpu.wait_indirect_dma semaphore(%arg13 : memref<!tpu.dma_semaphore, #tpu.memory_space<semaphore_mem>>) src(%dma_wait3A_104 : memref<6400x32xi32, #tpu.memory_space<vmem_shared>>) dst(%arg10 : memref<1024x32xi32, #tpu.memory_space<vmem>>)
    %mul3A_105 = arith.constant 1024 : i32
    %mul3A_106 = arith.muli %add3A, %mul3A_105 : i32
    %multiple_of3A_107 = tpu.assume_multiple %mul3A_106, 1024 : i32
    %dma_start3A_108 = arith.constant 2 : i32
    %dma_start3A_109 = arith.constant 0 : i32
    %dma_start3A_110 = tpu.memref_slice %arg5[%dma_start3A_108, %multiple_of3A_107, %dma_start3A_109] : memref<5x32768x32xi32, #tpu.memory_space<hbm>> -> memref<1x1024x32xi32, #tpu.memory_space<hbm>>
    %dma_start3A_111 = tpu.memref_squeeze %dma_start3A_110 : memref<1x1024x32xi32, #tpu.memory_space<hbm>> -> memref<1024x32xi32, #tpu.memory_space<hbm>>
    %dma_start3A_112 = arith.constant 0 : i32
    %dma_start3A_113 = tpu.memref_slice %arg5[%dma_start3A_108, %multiple_of3A_107, %dma_start3A_112] : memref<5x32768x32xi32, #tpu.memory_space<hbm>> -> memref<1x1024x32xi32, #tpu.memory_space<hbm>>
    %dma_start3A_114 = tpu.memref_squeeze %dma_start3A_113 : memref<1x1024x32xi32, #tpu.memory_space<hbm>> -> memref<1024x32xi32, #tpu.memory_space<hbm>>
    tpu.enqueue_dma source(%arg10 : memref<1024x32xi32, #tpu.memory_space<vmem>>) target(%dma_start3A_114 : memref<1024x32xi32, #tpu.memory_space<hbm>>) target_semaphore(%arg15 : memref<!tpu.dma_semaphore, #tpu.memory_space<semaphore_mem>>)
    %scan3A_115 = arith.constant 0 : i32
    %scan3A_116 = arith.constant 0 : i32
    %scan3A_117 = arith.constant 64 : i32
    %scan3A_118 = arith.addi %scan3A_116, %scan3A_117 : i32
    %scan3A_119 = arith.constant 1 : i32
    scf.for %scan3A_178 = %scan3A_116 to %scan3A_118 step %scan3A_119  : i32 {
      %get3A_179 = arith.constant 0 : index
      %get3A_180 = tpu.vector_load %arg7[%get3A_179] {strides = array<i32>} : memref<16xi32, #tpu.memory_space<vmem>>, vector<16xi32>,
      %gather3A = tpu.vector_load_idx %arg6[%get3A_180] : memref<5120xi32, #tpu.memory_space<vmem>>[vector<16xi32>], vector<16xi32>,
      %mul3A_181 = arith.constant 16 : i32
      %mul3A_182 = arith.muli %scan3A_178, %mul3A_181 : i32
      %swap3A_183 = arith.index_cast %mul3A_182 : i32 to index
      %swap3A_184 = tpu.vector_load %arg8[%swap3A_183] {strides = array<i32>} : memref<1024xi32, #tpu.memory_space<vmem>>, vector<16xi32>,
      tpu.vector_store %arg8[%swap3A_183], %gather3A {strides = array<i32>} : memref<1024xi32, #tpu.memory_space<vmem>>, vector<16xi32>,
      %add3A_185 = arith.constant 80 : i32
      %add3A_186 = vector.broadcast %add3A_185 : i32 to vector<16xi32>
      %add3A_187 = arith.addi %get3A_180, %add3A_186 : vector<16xi32>
      %swap3A_188 = arith.constant 0 : index
      %swap3A_189 = tpu.vector_load %arg7[%swap3A_188] {strides = array<i32>} : memref<16xi32, #tpu.memory_space<vmem>>, vector<16xi32>,
      tpu.vector_store %arg7[%swap3A_188], %add3A_187 {strides = array<i32>} : memref<16xi32, #tpu.memory_space<vmem>>, vector<16xi32>,
    }
    %scan3A_120 = arith.constant 64 : i32
    %get3A_121 = arith.constant 0 : index
    %get3A_122 = tpu.vector_load %arg7[%get3A_121] {strides = array<i32>} : memref<16xi32, #tpu.memory_space<vmem>>, vector<16xi32>,
    %sub3A_123 = arith.constant 5116 : i32
    %sub3A_124 = vector.broadcast %sub3A_123 : i32 to vector<16xi32>
    %sub3A_125 = arith.subi %get3A_122, %sub3A_124 : vector<16xi32>
    %swap3A_126 = arith.constant 0 : index
    %swap3A_127 = tpu.vector_load %arg7[%swap3A_126] {strides = array<i32>} : memref<16xi32, #tpu.memory_space<vmem>>, vector<16xi32>,
    tpu.vector_store %arg7[%swap3A_126], %sub3A_125 {strides = array<i32>} : memref<16xi32, #tpu.memory_space<vmem>>, vector<16xi32>,
    %dma_wait3A_128 = arith.constant 2 : i32
    %dma_wait3A_129 = arith.constant 0 : i32
    %dma_wait3A_130 = tpu.memref_slice %arg5[%dma_wait3A_128, %multiple_of3A_107, %dma_wait3A_129] : memref<5x32768x32xi32, #tpu.memory_space<hbm>> -> memref<1x1024x32xi32, #tpu.memory_space<hbm>>
    %dma_wait3A_131 = tpu.memref_squeeze %dma_wait3A_130 : memref<1x1024x32xi32, #tpu.memory_space<hbm>> -> memref<1024x32xi32, #tpu.memory_space<hbm>>
    %dma_wait3A_132 = arith.constant 0 : i32
    %dma_wait3A_133 = tpu.memref_slice %arg5[%dma_wait3A_128, %multiple_of3A_107, %dma_wait3A_132] : memref<5x32768x32xi32, #tpu.memory_space<hbm>> -> memref<1x1024x32xi32, #tpu.memory_space<hbm>>
    %dma_wait3A_134 = tpu.memref_squeeze %dma_wait3A_133 : memref<1x1024x32xi32, #tpu.memory_space<hbm>> -> memref<1024x32xi32, #tpu.memory_space<hbm>>
    tpu.wait_dma2 semaphore(%arg15 : memref<!tpu.dma_semaphore, #tpu.memory_space<semaphore_mem>>) src(%arg10 : memref<1024x32xi32, #tpu.memory_space<vmem>>) dst(%dma_wait3A_134 : memref<1024x32xi32, #tpu.memory_space<hbm>>)
    %dma_start3A_135 = arith.constant 0 : i32
    %dma_start3A_136 = arith.constant 0 : i32
    %dma_start3A_137 = tpu.memref_slice %arg12[%dma_start3A_135, %dma_start3A_136] : memref<6400x32xi32, #tpu.memory_space<vmem_shared>> -> memref<6400x32xi32, #tpu.memory_space<vmem_shared>>
    tpu.enqueue_indirect_dma source(%dma_start3A_137 : memref<6400x32xi32, #tpu.memory_space<vmem_shared>>) target(%arg10 : memref<1024x32xi32, #tpu.memory_space<vmem>>) offsets(%arg8 : memref<1024xi32, #tpu.memory_space<vmem>>) semaphore(%arg13 : memref<!tpu.dma_semaphore, #tpu.memory_space<semaphore_mem>>)
    %dma_wait3A_138 = arith.constant 0 : i32
    %dma_wait3A_139 = arith.constant 0 : i32
    %dma_wait3A_140 = tpu.memref_slice %arg12[%dma_wait3A_138, %dma_wait3A_139] : memref<6400x32xi32, #tpu.memory_space<vmem_shared>> -> memref<6400x32xi32, #tpu.memory_space<vmem_shared>>
    tpu.wait_indirect_dma semaphore(%arg14 : memref<!tpu.dma_semaphore, #tpu.memory_space<semaphore_mem>>) src(%dma_wait3A_140 : memref<6400x32xi32, #tpu.memory_space<vmem_shared>>) dst(%arg11 : memref<1024x32xi32, #tpu.memory_space<vmem>>)
    %mul3A_141 = arith.constant 1024 : i32
    %mul3A_142 = arith.muli %add3A, %mul3A_141 : i32
    %multiple_of3A_143 = tpu.assume_multiple %mul3A_142, 1024 : i32
    %dma_start3A_144 = arith.constant 3 : i32
    %dma_start3A_145 = arith.constant 0 : i32
    %dma_start3A_146 = tpu.memref_slice %arg5[%dma_start3A_144, %multiple_of3A_143, %dma_start3A_145] : memref<5x32768x32xi32, #tpu.memory_space<hbm>> -> memref<1x1024x32xi32, #tpu.memory_space<hbm>>
    %dma_start3A_147 = tpu.memref_squeeze %dma_start3A_146 : memref<1x1024x32xi32, #tpu.memory_space<hbm>> -> memref<1024x32xi32, #tpu.memory_space<hbm>>
    %dma_start3A_148 = arith.constant 0 : i32
    %dma_start3A_149 = tpu.memref_slice %arg5[%dma_start3A_144, %multiple_of3A_143, %dma_start3A_148] : memref<5x32768x32xi32, #tpu.memory_space<hbm>> -> memref<1x1024x32xi32, #tpu.memory_space<hbm>>
    %dma_start3A_150 = tpu.memref_squeeze %dma_start3A_149 : memref<1x1024x32xi32, #tpu.memory_space<hbm>> -> memref<1024x32xi32, #tpu.memory_space<hbm>>
    tpu.enqueue_dma source(%arg11 : memref<1024x32xi32, #tpu.memory_space<vmem>>) target(%dma_start3A_150 : memref<1024x32xi32, #tpu.memory_space<hbm>>) target_semaphore(%arg16 : memref<!tpu.dma_semaphore, #tpu.memory_space<semaphore_mem>>)
    %dma_wait3A_151 = arith.constant 0 : i32
    %dma_wait3A_152 = arith.constant 0 : i32
    %dma_wait3A_153 = tpu.memref_slice %arg12[%dma_wait3A_151, %dma_wait3A_152] : memref<6400x32xi32, #tpu.memory_space<vmem_shared>> -> memref<6400x32xi32, #tpu.memory_space<vmem_shared>>
    tpu.wait_indirect_dma semaphore(%arg13 : memref<!tpu.dma_semaphore, #tpu.memory_space<semaphore_mem>>) src(%dma_wait3A_153 : memref<6400x32xi32, #tpu.memory_space<vmem_shared>>) dst(%arg10 : memref<1024x32xi32, #tpu.memory_space<vmem>>)
    %mul3A_154 = arith.constant 1024 : i32
    %mul3A_155 = arith.muli %add3A, %mul3A_154 : i32
    %multiple_of3A_156 = tpu.assume_multiple %mul3A_155, 1024 : i32
    %dma_start3A_157 = arith.constant 4 : i32
    %dma_start3A_158 = arith.constant 0 : i32
    %dma_start3A_159 = tpu.memref_slice %arg5[%dma_start3A_157, %multiple_of3A_156, %dma_start3A_158] : memref<5x32768x32xi32, #tpu.memory_space<hbm>> -> memref<1x1024x32xi32, #tpu.memory_space<hbm>>
    %dma_start3A_160 = tpu.memref_squeeze %dma_start3A_159 : memref<1x1024x32xi32, #tpu.memory_space<hbm>> -> memref<1024x32xi32, #tpu.memory_space<hbm>>
    %dma_start3A_161 = arith.constant 0 : i32
    %dma_start3A_162 = tpu.memref_slice %arg5[%dma_start3A_157, %multiple_of3A_156, %dma_start3A_161] : memref<5x32768x32xi32, #tpu.memory_space<hbm>> -> memref<1x1024x32xi32, #tpu.memory_space<hbm>>
    %dma_start3A_163 = tpu.memref_squeeze %dma_start3A_162 : memref<1x1024x32xi32, #tpu.memory_space<hbm>> -> memref<1024x32xi32, #tpu.memory_space<hbm>>
    tpu.enqueue_dma source(%arg10 : memref<1024x32xi32, #tpu.memory_space<vmem>>) target(%dma_start3A_163 : memref<1024x32xi32, #tpu.memory_space<hbm>>) target_semaphore(%arg15 : memref<!tpu.dma_semaphore, #tpu.memory_space<semaphore_mem>>)
    %dma_wait3A_164 = arith.constant 3 : i32
    %dma_wait3A_165 = arith.constant 0 : i32
    %dma_wait3A_166 = tpu.memref_slice %arg5[%dma_wait3A_164, %multiple_of3A_143, %dma_wait3A_165] : memref<5x32768x32xi32, #tpu.memory_space<hbm>> -> memref<1x1024x32xi32, #tpu.memory_space<hbm>>
    %dma_wait3A_167 = tpu.memref_squeeze %dma_wait3A_166 : memref<1x1024x32xi32, #tpu.memory_space<hbm>> -> memref<1024x32xi32, #tpu.memory_space<hbm>>
    %dma_wait3A_168 = arith.constant 0 : i32
    %dma_wait3A_169 = tpu.memref_slice %arg5[%dma_wait3A_164, %multiple_of3A_143, %dma_wait3A_168] : memref<5x32768x32xi32, #tpu.memory_space<hbm>> -> memref<1x1024x32xi32, #tpu.memory_space<hbm>>
    %dma_wait3A_170 = tpu.memref_squeeze %dma_wait3A_169 : memref<1x1024x32xi32, #tpu.memory_space<hbm>> -> memref<1024x32xi32, #tpu.memory_space<hbm>>
    tpu.wait_dma2 semaphore(%arg16 : memref<!tpu.dma_semaphore, #tpu.memory_space<semaphore_mem>>) src(%arg11 : memref<1024x32xi32, #tpu.memory_space<vmem>>) dst(%dma_wait3A_170 : memref<1024x32xi32, #tpu.memory_space<hbm>>)
    %dma_wait3A_171 = arith.constant 4 : i32
    %dma_wait3A_172 = arith.constant 0 : i32
    %dma_wait3A_173 = tpu.memref_slice %arg5[%dma_wait3A_171, %multiple_of3A_156, %dma_wait3A_172] : memref<5x32768x32xi32, #tpu.memory_space<hbm>> -> memref<1x1024x32xi32, #tpu.memory_space<hbm>>
    %dma_wait3A_174 = tpu.memref_squeeze %dma_wait3A_173 : memref<1x1024x32xi32, #tpu.memory_space<hbm>> -> memref<1024x32xi32, #tpu.memory_space<hbm>>
    %dma_wait3A_175 = arith.constant 0 : i32
    %dma_wait3A_176 = tpu.memref_slice %arg5[%dma_wait3A_171, %multiple_of3A_156, %dma_wait3A_175] : memref<5x32768x32xi32, #tpu.memory_space<hbm>> -> memref<1x1024x32xi32, #tpu.memory_space<hbm>>
    %dma_wait3A_177 = tpu.memref_squeeze %dma_wait3A_176 : memref<1x1024x32xi32, #tpu.memory_space<hbm>> -> memref<1024x32xi32, #tpu.memory_space<hbm>>
    tpu.wait_dma2 semaphore(%arg15 : memref<!tpu.dma_semaphore, #tpu.memory_space<semaphore_mem>>) src(%arg10 : memref<1024x32xi32, #tpu.memory_space<vmem>>) dst(%dma_wait3A_177 : memref<1024x32xi32, #tpu.memory_space<hbm>>)
    return
  }
}

#map = affine_map<(d0, d1) -> (0, 0)>
#map1 = affine_map<(d0, d1) -> (0)>
#map2 = affine_map<(d0, d1) -> (0, 0, 0)>
module attributes {stable_mosaic.version = 14 : i64} {
  func.func @k(%arg0: i32, %arg1: i32, %arg2: memref<6400x32xi32, #tpu.memory_space<hbm>>, %arg3: memref<163840xi32, #tpu.memory_space<hbm>>, %arg4: memref<16xi32, #tpu.memory_space<hbm>>, %arg5: memref<5x32768x32xi32, #tpu.memory_space<hbm>>, %arg6: memref<5120xi32, #tpu.memory_space<vmem>>, %arg7: memref<16xi32, #tpu.memory_space<vmem>>, %arg8: memref<1024xi32, #tpu.memory_space<vmem>>, %arg9: memref<1024xi32, #tpu.memory_space<vmem>>, %arg10: memref<1024x32xi32, #tpu.memory_space<vmem>>, %arg11: memref<1024x32xi32, #tpu.memory_space<vmem>>, %arg12: memref<6400x32xi32, #tpu.memory_space<vmem_shared>>, %arg13: memref<!tpu.dma_semaphore, #tpu.memory_space<semaphore_mem>>, %arg14: memref<!tpu.dma_semaphore, #tpu.memory_space<semaphore_mem>>, %arg15: memref<!tpu.dma_semaphore, #tpu.memory_space<semaphore_mem>>, %arg16: memref<!tpu.dma_semaphore, #tpu.memory_space<semaphore_mem>>) attributes {dimension_semantics = [#tpu.dimension_semantics<core_parallel>, #tpu.dimension_semantics<subcore_parallel>], iteration_bounds = array<i64: 2, 16>, scalar_prefetch = 0 : i64, scratch_operands = 11 : i64, tpu.core_type = #tpu.core_type<sc_vector_subcore>, window_params = [{transform_indices = #map}, {transform_indices = #map1}, {transform_indices = #map1}, {transform_indices = #map2}]} {
    %mul3A = arith.constant 2 : i32
    %mul3A_0 = arith.muli %arg1, %mul3A : i32
    %add3A = arith.addi %mul3A_0, %arg0 : i32
    %eq3A = arith.constant 0 : i32
    %eq3A_1 = arith.cmpi eq, %arg1, %eq3A : i32
    %convert_element_type3A = arith.extui %eq3A_1 : i1 to i32
    %cond3A = arith.constant 0 : i32
    %cond3A_2 = arith.cmpi ne, %convert_element_type3A, %cond3A : i32
    scf.if %cond3A_2 {
      "tpu.region"() ({
        %run_scoped3A = tpu.sem_alloc : memref<!tpu.dma_semaphore, #tpu.memory_space<semaphore_mem>>
        tpu.enqueue_dma source(%arg2 : memref<6400x32xi32, #tpu.memory_space<hbm>>) target(%arg12 : memref<6400x32xi32, #tpu.memory_space<vmem_shared>>) target_semaphore(%run_scoped3A : memref<!tpu.dma_semaphore, #tpu.memory_space<semaphore_mem>>)
        tpu.wait_dma2 semaphore(%run_scoped3A : memref<!tpu.dma_semaphore, #tpu.memory_space<semaphore_mem>>) src(%arg2 : memref<6400x32xi32, #tpu.memory_space<hbm>>) dst(%arg12 : memref<6400x32xi32, #tpu.memory_space<vmem_shared>>)
        tpu.yield
      }) : () -> ()
    } else {
    }
    %mul3A_3 = arith.constant 5120 : i32
    %mul3A_4 = arith.muli %add3A, %mul3A_3 : i32
    "tpu.region"() ({
      %run_scoped3A = tpu.sem_alloc : memref<!tpu.dma_semaphore, #tpu.memory_space<semaphore_mem>>
      %dma_start3A_178 = tpu.memref_slice %arg3[%mul3A_4] : memref<163840xi32, #tpu.memory_space<hbm>> -> memref<5120xi32, #tpu.memory_space<hbm>>
      %dma_start3A_179 = tpu.memref_slice %arg3[%mul3A_4] : memref<163840xi32, #tpu.memory_space<hbm>> -> memref<5120xi32, #tpu.memory_space<hbm>>
      tpu.enqueue_dma source(%dma_start3A_179 : memref<5120xi32, #tpu.memory_space<hbm>>) target(%arg6 : memref<5120xi32, #tpu.memory_space<vmem>>) target_semaphore(%run_scoped3A : memref<!tpu.dma_semaphore, #tpu.memory_space<semaphore_mem>>)
      %dma_wait3A_180 = tpu.memref_slice %arg3[%mul3A_4] : memref<163840xi32, #tpu.memory_space<hbm>> -> memref<5120xi32, #tpu.memory_space<hbm>>
      %dma_wait3A_181 = tpu.memref_slice %arg3[%mul3A_4] : memref<163840xi32, #tpu.memory_space<hbm>> -> memref<5120xi32, #tpu.memory_space<hbm>>
      tpu.wait_dma2 semaphore(%run_scoped3A : memref<!tpu.dma_semaphore, #tpu.memory_space<semaphore_mem>>) src(%dma_wait3A_181 : memref<5120xi32, #tpu.memory_space<hbm>>) dst(%arg6 : memref<5120xi32, #tpu.memory_space<vmem>>)
      tpu.yield
    }) : () -> ()
    "tpu.region"() ({
      %run_scoped3A = tpu.sem_alloc : memref<!tpu.dma_semaphore, #tpu.memory_space<semaphore_mem>>
      tpu.enqueue_dma source(%arg4 : memref<16xi32, #tpu.memory_space<hbm>>) target(%arg7 : memref<16xi32, #tpu.memory_space<vmem>>) target_semaphore(%run_scoped3A : memref<!tpu.dma_semaphore, #tpu.memory_space<semaphore_mem>>)
      tpu.wait_dma2 semaphore(%run_scoped3A : memref<!tpu.dma_semaphore, #tpu.memory_space<semaphore_mem>>) src(%arg4 : memref<16xi32, #tpu.memory_space<hbm>>) dst(%arg7 : memref<16xi32, #tpu.memory_space<vmem>>)
      tpu.yield
    }) : () -> ()
    %barrier3A = arith.constant 0 : index
    tpu.barrier barrier_id(%barrier3A)
    %scan3A = arith.constant 0 : i32
    %scan3A_5 = arith.constant 0 : i32
    %scan3A_6 = arith.constant 64 : i32
    %scan3A_7 = arith.addi %scan3A_5, %scan3A_6 : i32
    %scan3A_8 = arith.constant 1 : i32
    scf.for %scan3A_178 = %scan3A_5 to %scan3A_7 step %scan3A_8  : i32 {
      %get3A_179 = arith.constant 0 : index
      %get3A_180 = tpu.vector_load %arg7[%get3A_179] {strides = array<i32>} : memref<16xi32, #tpu.memory_space<vmem>>, vector<16xi32>,
      %gather3A = tpu.vector_load_idx %arg6[%get3A_180] : memref<5120xi32, #tpu.memory_space<vmem>>[vector<16xi32>], vector<16xi32>,
      %mul3A_181 = arith.constant 16 : i32
      %mul3A_182 = arith.muli %scan3A_178, %mul3A_181 : i32
      %swap3A_183 = arith.index_cast %mul3A_182 : i32 to index
      %swap3A_184 = tpu.vector_load %arg8[%swap3A_183] {strides = array<i32>} : memref<1024xi32, #tpu.memory_space<vmem>>, vector<16xi32>,
      tpu.vector_store %arg8[%swap3A_183], %gather3A {strides = array<i32>} : memref<1024xi32, #tpu.memory_space<vmem>>, vector<16xi32>,
      %add3A_185 = arith.constant 80 : i32
      %add3A_186 = vector.broadcast %add3A_185 : i32 to vector<16xi32>
      %add3A_187 = arith.addi %get3A_180, %add3A_186 : vector<16xi32>
      %swap3A_188 = arith.constant 0 : index
      %swap3A_189 = tpu.vector_load %arg7[%swap3A_188] {strides = array<i32>} : memref<16xi32, #tpu.memory_space<vmem>>, vector<16xi32>,
      tpu.vector_store %arg7[%swap3A_188], %add3A_187 {strides = array<i32>} : memref<16xi32, #tpu.memory_space<vmem>>, vector<16xi32>,
    }
    %scan3A_9 = arith.constant 64 : i32
    %get3A = arith.constant 0 : index
    %get3A_10 = tpu.vector_load %arg7[%get3A] {strides = array<i32>} : memref<16xi32, #tpu.memory_space<vmem>>, vector<16xi32>,
    %sub3A = arith.constant 5116 : i32
    %sub3A_11 = vector.broadcast %sub3A : i32 to vector<16xi32>
    %sub3A_12 = arith.subi %get3A_10, %sub3A_11 : vector<16xi32>
    %swap3A = arith.constant 0 : index
    %swap3A_13 = tpu.vector_load %arg7[%swap3A] {strides = array<i32>} : memref<16xi32, #tpu.memory_space<vmem>>, vector<16xi32>,
    tpu.vector_store %arg7[%swap3A], %sub3A_12 {strides = array<i32>} : memref<16xi32, #tpu.memory_space<vmem>>, vector<16xi32>,
    %dma_start3A = arith.constant 0 : i32
    %dma_start3A_14 = arith.constant 0 : i32
    %dma_start3A_15 = tpu.memref_slice %arg12[%dma_start3A, %dma_start3A_14] : memref<6400x32xi32, #tpu.memory_space<vmem_shared>> -> memref<6400x32xi32, #tpu.memory_space<vmem_shared>>
    tpu.enqueue_indirect_dma source(%dma_start3A_15 : memref<6400x32xi32, #tpu.memory_space<vmem_shared>>) target(%arg10 : memref<1024x32xi32, #tpu.memory_space<vmem>>) offsets(%arg8 : memref<1024xi32, #tpu.memory_space<vmem>>) semaphore(%arg13 : memref<!tpu.dma_semaphore, #tpu.memory_space<semaphore_mem>>)
    %scan3A_16 = arith.constant 0 : i32
    %scan3A_17 = arith.constant 0 : i32
    %scan3A_18 = arith.constant 64 : i32
    %scan3A_19 = arith.addi %scan3A_17, %scan3A_18 : i32
    %scan3A_20 = arith.constant 1 : i32
    scf.for %scan3A_178 = %scan3A_17 to %scan3A_19 step %scan3A_20  : i32 {
      %get3A_179 = arith.constant 0 : index
      %get3A_180 = tpu.vector_load %arg7[%get3A_179] {strides = array<i32>} : memref<16xi32, #tpu.memory_space<vmem>>, vector<16xi32>,
      %gather3A = tpu.vector_load_idx %arg6[%get3A_180] : memref<5120xi32, #tpu.memory_space<vmem>>[vector<16xi32>], vector<16xi32>,
      %mul3A_181 = arith.constant 16 : i32
      %mul3A_182 = arith.muli %scan3A_178, %mul3A_181 : i32
      %swap3A_183 = arith.index_cast %mul3A_182 : i32 to index
      %swap3A_184 = tpu.vector_load %arg9[%swap3A_183] {strides = array<i32>} : memref<1024xi32, #tpu.memory_space<vmem>>, vector<16xi32>,
      tpu.vector_store %arg9[%swap3A_183], %gather3A {strides = array<i32>} : memref<1024xi32, #tpu.memory_space<vmem>>, vector<16xi32>,
      %add3A_185 = arith.constant 80 : i32
      %add3A_186 = vector.broadcast %add3A_185 : i32 to vector<16xi32>
      %add3A_187 = arith.addi %get3A_180, %add3A_186 : vector<16xi32>
      %swap3A_188 = arith.constant 0 : index
      %swap3A_189 = tpu.vector_load %arg7[%swap3A_188] {strides = array<i32>} : memref<16xi32, #tpu.memory_space<vmem>>, vector<16xi32>,
      tpu.vector_store %arg7[%swap3A_188], %add3A_187 {strides = array<i32>} : memref<16xi32, #tpu.memory_space<vmem>>, vector<16xi32>,
    }
    %scan3A_21 = arith.constant 64 : i32
    %get3A_22 = arith.constant 0 : index
    %get3A_23 = tpu.vector_load %arg7[%get3A_22] {strides = array<i32>} : memref<16xi32, #tpu.memory_space<vmem>>, vector<16xi32>,
    %sub3A_24 = arith.constant 5116 : i32
    %sub3A_25 = vector.broadcast %sub3A_24 : i32 to vector<16xi32>
    %sub3A_26 = arith.subi %get3A_23, %sub3A_25 : vector<16xi32>
    %swap3A_27 = arith.constant 0 : index
    %swap3A_28 = tpu.vector_load %arg7[%swap3A_27] {strides = array<i32>} : memref<16xi32, #tpu.memory_space<vmem>>, vector<16xi32>,
    tpu.vector_store %arg7[%swap3A_27], %sub3A_26 {strides = array<i32>} : memref<16xi32, #tpu.memory_space<vmem>>, vector<16xi32>,
    %dma_start3A_29 = arith.constant 0 : i32
    %dma_start3A_30 = arith.constant 0 : i32
    %dma_start3A_31 = tpu.memref_slice %arg12[%dma_start3A_29, %dma_start3A_30] : memref<6400x32xi32, #tpu.memory_space<vmem_shared>> -> memref<6400x32xi32, #tpu.memory_space<vmem_shared>>
    tpu.enqueue_indirect_dma source(%dma_start3A_31 : memref<6400x32xi32, #tpu.memory_space<vmem_shared>>) target(%arg11 : memref<1024x32xi32, #tpu.memory_space<vmem>>) offsets(%arg9 : memref<1024xi32, #tpu.memory_space<vmem>>) semaphore(%arg14 : memref<!tpu.dma_semaphore, #tpu.memory_space<semaphore_mem>>)
    %dma_wait3A = arith.constant 0 : i32
    %dma_wait3A_32 = arith.constant 0 : i32
    %dma_wait3A_33 = tpu.memref_slice %arg12[%dma_wait3A, %dma_wait3A_32] : memref<6400x32xi32, #tpu.memory_space<vmem_shared>> -> memref<6400x32xi32, #tpu.memory_space<vmem_shared>>
    tpu.wait_indirect_dma semaphore(%arg13 : memref<!tpu.dma_semaphore, #tpu.memory_space<semaphore_mem>>) src(%dma_wait3A_33 : memref<6400x32xi32, #tpu.memory_space<vmem_shared>>) dst(%arg10 : memref<1024x32xi32, #tpu.memory_space<vmem>>)
    %mul3A_34 = arith.constant 1024 : i32
    %mul3A_35 = arith.muli %add3A, %mul3A_34 : i32
    %multiple_of3A = tpu.assume_multiple %mul3A_35, 1024 : i32
    %dma_start3A_36 = arith.constant 0 : i32
    %dma_start3A_37 = arith.constant 0 : i32
    %dma_start3A_38 = tpu.memref_slice %arg5[%dma_start3A_36, %multiple_of3A, %dma_start3A_37] : memref<5x32768x32xi32, #tpu.memory_space<hbm>> -> memref<1x1024x32xi32, #tpu.memory_space<hbm>>
    %dma_start3A_39 = tpu.memref_squeeze %dma_start3A_38 : memref<1x1024x32xi32, #tpu.memory_space<hbm>> -> memref<1024x32xi32, #tpu.memory_space<hbm>>
    %dma_start3A_40 = arith.constant 0 : i32
    %dma_start3A_41 = tpu.memref_slice %arg5[%dma_start3A_36, %multiple_of3A, %dma_start3A_40] : memref<5x32768x32xi32, #tpu.memory_space<hbm>> -> memref<1x1024x32xi32, #tpu.memory_space<hbm>>
    %dma_start3A_42 = tpu.memref_squeeze %dma_start3A_41 : memref<1x1024x32xi32, #tpu.memory_space<hbm>> -> memref<1024x32xi32, #tpu.memory_space<hbm>>
    tpu.enqueue_dma source(%arg10 : memref<1024x32xi32, #tpu.memory_space<vmem>>) target(%dma_start3A_42 : memref<1024x32xi32, #tpu.memory_space<hbm>>) target_semaphore(%arg15 : memref<!tpu.dma_semaphore, #tpu.memory_space<semaphore_mem>>)
    %scan3A_43 = arith.constant 0 : i32
    %scan3A_44 = arith.constant 0 : i32
    %scan3A_45 = arith.constant 64 : i32
    %scan3A_46 = arith.addi %scan3A_44, %scan3A_45 : i32
    %scan3A_47 = arith.constant 1 : i32
    scf.for %scan3A_178 = %scan3A_44 to %scan3A_46 step %scan3A_47  : i32 {
      %get3A_179 = arith.constant 0 : index
      %get3A_180 = tpu.vector_load %arg7[%get3A_179] {strides = array<i32>} : memref<16xi32, #tpu.memory_space<vmem>>, vector<16xi32>,
      %gather3A = tpu.vector_load_idx %arg6[%get3A_180] : memref<5120xi32, #tpu.memory_space<vmem>>[vector<16xi32>], vector<16xi32>,
      %mul3A_181 = arith.constant 16 : i32
      %mul3A_182 = arith.muli %scan3A_178, %mul3A_181 : i32
      %swap3A_183 = arith.index_cast %mul3A_182 : i32 to index
      %swap3A_184 = tpu.vector_load %arg8[%swap3A_183] {strides = array<i32>} : memref<1024xi32, #tpu.memory_space<vmem>>, vector<16xi32>,
      tpu.vector_store %arg8[%swap3A_183], %gather3A {strides = array<i32>} : memref<1024xi32, #tpu.memory_space<vmem>>, vector<16xi32>,
      %add3A_185 = arith.constant 80 : i32
      %add3A_186 = vector.broadcast %add3A_185 : i32 to vector<16xi32>
      %add3A_187 = arith.addi %get3A_180, %add3A_186 : vector<16xi32>
      %swap3A_188 = arith.constant 0 : index
      %swap3A_189 = tpu.vector_load %arg7[%swap3A_188] {strides = array<i32>} : memref<16xi32, #tpu.memory_space<vmem>>, vector<16xi32>,
      tpu.vector_store %arg7[%swap3A_188], %add3A_187 {strides = array<i32>} : memref<16xi32, #tpu.memory_space<vmem>>, vector<16xi32>,
    }
    %scan3A_48 = arith.constant 64 : i32
    %get3A_49 = arith.constant 0 : index
    %get3A_50 = tpu.vector_load %arg7[%get3A_49] {strides = array<i32>} : memref<16xi32, #tpu.memory_space<vmem>>, vector<16xi32>,
    %sub3A_51 = arith.constant 5116 : i32
    %sub3A_52 = vector.broadcast %sub3A_51 : i32 to vector<16xi32>
    %sub3A_53 = arith.subi %get3A_50, %sub3A_52 : vector<16xi32>
    %swap3A_54 = arith.constant 0 : index
    %swap3A_55 = tpu.vector_load %arg7[%swap3A_54] {strides = array<i32>} : memref<16xi32, #tpu.memory_space<vmem>>, vector<16xi32>,
    tpu.vector_store %arg7[%swap3A_54], %sub3A_53 {strides = array<i32>} : memref<16xi32, #tpu.memory_space<vmem>>, vector<16xi32>,
    %dma_wait3A_56 = arith.constant 0 : i32
    %dma_wait3A_57 = arith.constant 0 : i32
    %dma_wait3A_58 = tpu.memref_slice %arg5[%dma_wait3A_56, %multiple_of3A, %dma_wait3A_57] : memref<5x32768x32xi32, #tpu.memory_space<hbm>> -> memref<1x1024x32xi32, #tpu.memory_space<hbm>>
    %dma_wait3A_59 = tpu.memref_squeeze %dma_wait3A_58 : memref<1x1024x32xi32, #tpu.memory_space<hbm>> -> memref<1024x32xi32, #tpu.memory_space<hbm>>
    %dma_wait3A_60 = arith.constant 0 : i32
    %dma_wait3A_61 = tpu.memref_slice %arg5[%dma_wait3A_56, %multiple_of3A, %dma_wait3A_60] : memref<5x32768x32xi32, #tpu.memory_space<hbm>> -> memref<1x1024x32xi32, #tpu.memory_space<hbm>>
    %dma_wait3A_62 = tpu.memref_squeeze %dma_wait3A_61 : memref<1x1024x32xi32, #tpu.memory_space<hbm>> -> memref<1024x32xi32, #tpu.memory_space<hbm>>
    tpu.wait_dma2 semaphore(%arg15 : memref<!tpu.dma_semaphore, #tpu.memory_space<semaphore_mem>>) src(%arg10 : memref<1024x32xi32, #tpu.memory_space<vmem>>) dst(%dma_wait3A_62 : memref<1024x32xi32, #tpu.memory_space<hbm>>)
    %dma_start3A_63 = arith.constant 0 : i32
    %dma_start3A_64 = arith.constant 0 : i32
    %dma_start3A_65 = tpu.memref_slice %arg12[%dma_start3A_63, %dma_start3A_64] : memref<6400x32xi32, #tpu.memory_space<vmem_shared>> -> memref<6400x32xi32, #tpu.memory_space<vmem_shared>>
    tpu.enqueue_indirect_dma source(%dma_start3A_65 : memref<6400x32xi32, #tpu.memory_space<vmem_shared>>) target(%arg10 : memref<1024x32xi32, #tpu.memory_space<vmem>>) offsets(%arg8 : memref<1024xi32, #tpu.memory_space<vmem>>) semaphore(%arg13 : memref<!tpu.dma_semaphore, #tpu.memory_space<semaphore_mem>>)
    %dma_wait3A_66 = arith.constant 0 : i32
    %dma_wait3A_67 = arith.constant 0 : i32
    %dma_wait3A_68 = tpu.memref_slice %arg12[%dma_wait3A_66, %dma_wait3A_67] : memref<6400x32xi32, #tpu.memory_space<vmem_shared>> -> memref<6400x32xi32, #tpu.memory_space<vmem_shared>>
    tpu.wait_indirect_dma semaphore(%arg14 : memref<!tpu.dma_semaphore, #tpu.memory_space<semaphore_mem>>) src(%dma_wait3A_68 : memref<6400x32xi32, #tpu.memory_space<vmem_shared>>) dst(%arg11 : memref<1024x32xi32, #tpu.memory_space<vmem>>)
    %mul3A_69 = arith.constant 1024 : i32
    %mul3A_70 = arith.muli %add3A, %mul3A_69 : i32
    %multiple_of3A_71 = tpu.assume_multiple %mul3A_70, 1024 : i32
    %dma_start3A_72 = arith.constant 1 : i32
    %dma_start3A_73 = arith.constant 0 : i32
    %dma_start3A_74 = tpu.memref_slice %arg5[%dma_start3A_72, %multiple_of3A_71, %dma_start3A_73] : memref<5x32768x32xi32, #tpu.memory_space<hbm>> -> memref<1x1024x32xi32, #tpu.memory_space<hbm>>
    %dma_start3A_75 = tpu.memref_squeeze %dma_start3A_74 : memref<1x1024x32xi32, #tpu.memory_space<hbm>> -> memref<1024x32xi32, #tpu.memory_space<hbm>>
    %dma_start3A_76 = arith.constant 0 : i32
    %dma_start3A_77 = tpu.memref_slice %arg5[%dma_start3A_72, %multiple_of3A_71, %dma_start3A_76] : memref<5x32768x32xi32, #tpu.memory_space<hbm>> -> memref<1x1024x32xi32, #tpu.memory_space<hbm>>
    %dma_start3A_78 = tpu.memref_squeeze %dma_start3A_77 : memref<1x1024x32xi32, #tpu.memory_space<hbm>> -> memref<1024x32xi32, #tpu.memory_space<hbm>>
    tpu.enqueue_dma source(%arg11 : memref<1024x32xi32, #tpu.memory_space<vmem>>) target(%dma_start3A_78 : memref<1024x32xi32, #tpu.memory_space<hbm>>) target_semaphore(%arg16 : memref<!tpu.dma_semaphore, #tpu.memory_space<semaphore_mem>>)
    %scan3A_79 = arith.constant 0 : i32
    %scan3A_80 = arith.constant 0 : i32
    %scan3A_81 = arith.constant 64 : i32
    %scan3A_82 = arith.addi %scan3A_80, %scan3A_81 : i32
    %scan3A_83 = arith.constant 1 : i32
    scf.for %scan3A_178 = %scan3A_80 to %scan3A_82 step %scan3A_83  : i32 {
      %get3A_179 = arith.constant 0 : index
      %get3A_180 = tpu.vector_load %arg7[%get3A_179] {strides = array<i32>} : memref<16xi32, #tpu.memory_space<vmem>>, vector<16xi32>,
      %gather3A = tpu.vector_load_idx %arg6[%get3A_180] : memref<5120xi32, #tpu.memory_space<vmem>>[vector<16xi32>], vector<16xi32>,
      %mul3A_181 = arith.constant 16 : i32
      %mul3A_182 = arith.muli %scan3A_178, %mul3A_181 : i32
      %swap3A_183 = arith.index_cast %mul3A_182 : i32 to index
      %swap3A_184 = tpu.vector_load %arg9[%swap3A_183] {strides = array<i32>} : memref<1024xi32, #tpu.memory_space<vmem>>, vector<16xi32>,
      tpu.vector_store %arg9[%swap3A_183], %gather3A {strides = array<i32>} : memref<1024xi32, #tpu.memory_space<vmem>>, vector<16xi32>,
      %add3A_185 = arith.constant 80 : i32
      %add3A_186 = vector.broadcast %add3A_185 : i32 to vector<16xi32>
      %add3A_187 = arith.addi %get3A_180, %add3A_186 : vector<16xi32>
      %swap3A_188 = arith.constant 0 : index
      %swap3A_189 = tpu.vector_load %arg7[%swap3A_188] {strides = array<i32>} : memref<16xi32, #tpu.memory_space<vmem>>, vector<16xi32>,
      tpu.vector_store %arg7[%swap3A_188], %add3A_187 {strides = array<i32>} : memref<16xi32, #tpu.memory_space<vmem>>, vector<16xi32>,
    }
    %scan3A_84 = arith.constant 64 : i32
    %get3A_85 = arith.constant 0 : index
    %get3A_86 = tpu.vector_load %arg7[%get3A_85] {strides = array<i32>} : memref<16xi32, #tpu.memory_space<vmem>>, vector<16xi32>,
    %sub3A_87 = arith.constant 5116 : i32
    %sub3A_88 = vector.broadcast %sub3A_87 : i32 to vector<16xi32>
    %sub3A_89 = arith.subi %get3A_86, %sub3A_88 : vector<16xi32>
    %swap3A_90 = arith.constant 0 : index
    %swap3A_91 = tpu.vector_load %arg7[%swap3A_90] {strides = array<i32>} : memref<16xi32, #tpu.memory_space<vmem>>, vector<16xi32>,
    tpu.vector_store %arg7[%swap3A_90], %sub3A_89 {strides = array<i32>} : memref<16xi32, #tpu.memory_space<vmem>>, vector<16xi32>,
    %dma_wait3A_92 = arith.constant 1 : i32
    %dma_wait3A_93 = arith.constant 0 : i32
    %dma_wait3A_94 = tpu.memref_slice %arg5[%dma_wait3A_92, %multiple_of3A_71, %dma_wait3A_93] : memref<5x32768x32xi32, #tpu.memory_space<hbm>> -> memref<1x1024x32xi32, #tpu.memory_space<hbm>>
    %dma_wait3A_95 = tpu.memref_squeeze %dma_wait3A_94 : memref<1x1024x32xi32, #tpu.memory_space<hbm>> -> memref<1024x32xi32, #tpu.memory_space<hbm>>
    %dma_wait3A_96 = arith.constant 0 : i32
    %dma_wait3A_97 = tpu.memref_slice %arg5[%dma_wait3A_92, %multiple_of3A_71, %dma_wait3A_96] : memref<5x32768x32xi32, #tpu.memory_space<hbm>> -> memref<1x1024x32xi32, #tpu.memory_space<hbm>>
    %dma_wait3A_98 = tpu.memref_squeeze %dma_wait3A_97 : memref<1x1024x32xi32, #tpu.memory_space<hbm>> -> memref<1024x32xi32, #tpu.memory_space<hbm>>
    tpu.wait_dma2 semaphore(%arg16 : memref<!tpu.dma_semaphore, #tpu.memory_space<semaphore_mem>>) src(%arg11 : memref<1024x32xi32, #tpu.memory_space<vmem>>) dst(%dma_wait3A_98 : memref<1024x32xi32, #tpu.memory_space<hbm>>)
    %dma_start3A_99 = arith.constant 0 : i32
    %dma_start3A_100 = arith.constant 0 : i32
    %dma_start3A_101 = tpu.memref_slice %arg12[%dma_start3A_99, %dma_start3A_100] : memref<6400x32xi32, #tpu.memory_space<vmem_shared>> -> memref<6400x32xi32, #tpu.memory_space<vmem_shared>>
    tpu.enqueue_indirect_dma source(%dma_start3A_101 : memref<6400x32xi32, #tpu.memory_space<vmem_shared>>) target(%arg11 : memref<1024x32xi32, #tpu.memory_space<vmem>>) offsets(%arg9 : memref<1024xi32, #tpu.memory_space<vmem>>) semaphore(%arg14 : memref<!tpu.dma_semaphore, #tpu.memory_space<semaphore_mem>>)
    %dma_wait3A_102 = arith.constant 0 : i32
    %dma_wait3A_103 = arith.constant 0 : i32
    %dma_wait3A_104 = tpu.memref_slice %arg12[%dma_wait3A_102, %dma_wait3A_103] : memref<6400x32xi32, #tpu.memory_space<vmem_shared>> -> memref<6400x32xi32, #tpu.memory_space<vmem_shared>>
    tpu.wait_indirect_dma semaphore(%arg13 : memref<!tpu.dma_semaphore, #tpu.memory_space<semaphore_mem>>) src(%dma_wait3A_104 : memref<6400x32xi32, #tpu.memory_space<vmem_shared>>) dst(%arg10 : memref<1024x32xi32, #tpu.memory_space<vmem>>)
    %mul3A_105 = arith.constant 1024 : i32
    %mul3A_106 = arith.muli %add3A, %mul3A_105 : i32
    %multiple_of3A_107 = tpu.assume_multiple %mul3A_106, 1024 : i32
    %dma_start3A_108 = arith.constant 2 : i32
    %dma_start3A_109 = arith.constant 0 : i32
    %dma_start3A_110 = tpu.memref_slice %arg5[%dma_start3A_108, %multiple_of3A_107, %dma_start3A_109] : memref<5x32768x32xi32, #tpu.memory_space<hbm>> -> memref<1x1024x32xi32, #tpu.memory_space<hbm>>
    %dma_start3A_111 = tpu.memref_squeeze %dma_start3A_110 : memref<1x1024x32xi32, #tpu.memory_space<hbm>> -> memref<1024x32xi32, #tpu.memory_space<hbm>>
    %dma_start3A_112 = arith.constant 0 : i32
    %dma_start3A_113 = tpu.memref_slice %arg5[%dma_start3A_108, %multiple_of3A_107, %dma_start3A_112] : memref<5x32768x32xi32, #tpu.memory_space<hbm>> -> memref<1x1024x32xi32, #tpu.memory_space<hbm>>
    %dma_start3A_114 = tpu.memref_squeeze %dma_start3A_113 : memref<1x1024x32xi32, #tpu.memory_space<hbm>> -> memref<1024x32xi32, #tpu.memory_space<hbm>>
    tpu.enqueue_dma source(%arg10 : memref<1024x32xi32, #tpu.memory_space<vmem>>) target(%dma_start3A_114 : memref<1024x32xi32, #tpu.memory_space<hbm>>) target_semaphore(%arg15 : memref<!tpu.dma_semaphore, #tpu.memory_space<semaphore_mem>>)
    %scan3A_115 = arith.constant 0 : i32
    %scan3A_116 = arith.constant 0 : i32
    %scan3A_117 = arith.constant 64 : i32
    %scan3A_118 = arith.addi %scan3A_116, %scan3A_117 : i32
    %scan3A_119 = arith.constant 1 : i32
    scf.for %scan3A_178 = %scan3A_116 to %scan3A_118 step %scan3A_119  : i32 {
      %get3A_179 = arith.constant 0 : index
      %get3A_180 = tpu.vector_load %arg7[%get3A_179] {strides = array<i32>} : memref<16xi32, #tpu.memory_space<vmem>>, vector<16xi32>,
      %gather3A = tpu.vector_load_idx %arg6[%get3A_180] : memref<5120xi32, #tpu.memory_space<vmem>>[vector<16xi32>], vector<16xi32>,
      %mul3A_181 = arith.constant 16 : i32
      %mul3A_182 = arith.muli %scan3A_178, %mul3A_181 : i32
      %swap3A_183 = arith.index_cast %mul3A_182 : i32 to index
      %swap3A_184 = tpu.vector_load %arg8[%swap3A_183] {strides = array<i32>} : memref<1024xi32, #tpu.memory_space<vmem>>, vector<16xi32>,
      tpu.vector_store %arg8[%swap3A_183], %gather3A {strides = array<i32>} : memref<1024xi32, #tpu.memory_space<vmem>>, vector<16xi32>,
      %add3A_185 = arith.constant 80 : i32
      %add3A_186 = vector.broadcast %add3A_185 : i32 to vector<16xi32>
      %add3A_187 = arith.addi %get3A_180, %add3A_186 : vector<16xi32>
      %swap3A_188 = arith.constant 0 : index
      %swap3A_189 = tpu.vector_load %arg7[%swap3A_188] {strides = array<i32>} : memref<16xi32, #tpu.memory_space<vmem>>, vector<16xi32>,
      tpu.vector_store %arg7[%swap3A_188], %add3A_187 {strides = array<i32>} : memref<16xi32, #tpu.memory_space<vmem>>, vector<16xi32>,
    }
    %scan3A_120 = arith.constant 64 : i32
    %get3A_121 = arith.constant 0 : index
    %get3A_122 = tpu.vector_load %arg7[%get3A_121] {strides = array<i32>} : memref<16xi32, #tpu.memory_space<vmem>>, vector<16xi32>,
    %sub3A_123 = arith.constant 5116 : i32
    %sub3A_124 = vector.broadcast %sub3A_123 : i32 to vector<16xi32>
    %sub3A_125 = arith.subi %get3A_122, %sub3A_124 : vector<16xi32>
    %swap3A_126 = arith.constant 0 : index
    %swap3A_127 = tpu.vector_load %arg7[%swap3A_126] {strides = array<i32>} : memref<16xi32, #tpu.memory_space<vmem>>, vector<16xi32>,
    tpu.vector_store %arg7[%swap3A_126], %sub3A_125 {strides = array<i32>} : memref<16xi32, #tpu.memory_space<vmem>>, vector<16xi32>,
    %dma_wait3A_128 = arith.constant 2 : i32
    %dma_wait3A_129 = arith.constant 0 : i32
    %dma_wait3A_130 = tpu.memref_slice %arg5[%dma_wait3A_128, %multiple_of3A_107, %dma_wait3A_129] : memref<5x32768x32xi32, #tpu.memory_space<hbm>> -> memref<1x1024x32xi32, #tpu.memory_space<hbm>>
    %dma_wait3A_131 = tpu.memref_squeeze %dma_wait3A_130 : memref<1x1024x32xi32, #tpu.memory_space<hbm>> -> memref<1024x32xi32, #tpu.memory_space<hbm>>
    %dma_wait3A_132 = arith.constant 0 : i32
    %dma_wait3A_133 = tpu.memref_slice %arg5[%dma_wait3A_128, %multiple_of3A_107, %dma_wait3A_132] : memref<5x32768x32xi32, #tpu.memory_space<hbm>> -> memref<1x1024x32xi32, #tpu.memory_space<hbm>>
    %dma_wait3A_134 = tpu.memref_squeeze %dma_wait3A_133 : memref<1x1024x32xi32, #tpu.memory_space<hbm>> -> memref<1024x32xi32, #tpu.memory_space<hbm>>
    tpu.wait_dma2 semaphore(%arg15 : memref<!tpu.dma_semaphore, #tpu.memory_space<semaphore_mem>>) src(%arg10 : memref<1024x32xi32, #tpu.memory_space<vmem>>) dst(%dma_wait3A_134 : memref<1024x32xi32, #tpu.memory_space<hbm>>)
    %dma_start3A_135 = arith.constant 0 : i32
    %dma_start3A_136 = arith.constant 0 : i32
    %dma_start3A_137 = tpu.memref_slice %arg12[%dma_start3A_135, %dma_start3A_136] : memref<6400x32xi32, #tpu.memory_space<vmem_shared>> -> memref<6400x32xi32, #tpu.memory_space<vmem_shared>>
    tpu.enqueue_indirect_dma source(%dma_start3A_137 : memref<6400x32xi32, #tpu.memory_space<vmem_shared>>) target(%arg10 : memref<1024x32xi32, #tpu.memory_space<vmem>>) offsets(%arg8 : memref<1024xi32, #tpu.memory_space<vmem>>) semaphore(%arg13 : memref<!tpu.dma_semaphore, #tpu.memory_space<semaphore_mem>>)
    %dma_wait3A_138 = arith.constant 0 : i32
    %dma_wait3A_139 = arith.constant 0 : i32
    %dma_wait3A_140 = tpu.memref_slice %arg12[%dma_wait3A_138, %dma_wait3A_139] : memref<6400x32xi32, #tpu.memory_space<vmem_shared>> -> memref<6400x32xi32, #tpu.memory_space<vmem_shared>>
    tpu.wait_indirect_dma semaphore(%arg14 : memref<!tpu.dma_semaphore, #tpu.memory_space<semaphore_mem>>) src(%dma_wait3A_140 : memref<6400x32xi32, #tpu.memory_space<vmem_shared>>) dst(%arg11 : memref<1024x32xi32, #tpu.memory_space<vmem>>)
    %mul3A_141 = arith.constant 1024 : i32
    %mul3A_142 = arith.muli %add3A, %mul3A_141 : i32
    %multiple_of3A_143 = tpu.assume_multiple %mul3A_142, 1024 : i32
    %dma_start3A_144 = arith.constant 3 : i32
    %dma_start3A_145 = arith.constant 0 : i32
    %dma_start3A_146 = tpu.memref_slice %arg5[%dma_start3A_144, %multiple_of3A_143, %dma_start3A_145] : memref<5x32768x32xi32, #tpu.memory_space<hbm>> -> memref<1x1024x32xi32, #tpu.memory_space<hbm>>
    %dma_start3A_147 = tpu.memref_squeeze %dma_start3A_146 : memref<1x1024x32xi32, #tpu.memory_space<hbm>> -> memref<1024x32xi32, #tpu.memory_space<hbm>>
    %dma_start3A_148 = arith.constant 0 : i32
    %dma_start3A_149 = tpu.memref_slice %arg5[%dma_start3A_144, %multiple_of3A_143, %dma_start3A_148] : memref<5x32768x32xi32, #tpu.memory_space<hbm>> -> memref<1x1024x32xi32, #tpu.memory_space<hbm>>
    %dma_start3A_150 = tpu.memref_squeeze %dma_start3A_149 : memref<1x1024x32xi32, #tpu.memory_space<hbm>> -> memref<1024x32xi32, #tpu.memory_space<hbm>>
    tpu.enqueue_dma source(%arg11 : memref<1024x32xi32, #tpu.memory_space<vmem>>) target(%dma_start3A_150 : memref<1024x32xi32, #tpu.memory_space<hbm>>) target_semaphore(%arg16 : memref<!tpu.dma_semaphore, #tpu.memory_space<semaphore_mem>>)
    %dma_wait3A_151 = arith.constant 0 : i32
    %dma_wait3A_152 = arith.constant 0 : i32
    %dma_wait3A_153 = tpu.memref_slice %arg12[%dma_wait3A_151, %dma_wait3A_152] : memref<6400x32xi32, #tpu.memory_space<vmem_shared>> -> memref<6400x32xi32, #tpu.memory_space<vmem_shared>>
    tpu.wait_indirect_dma semaphore(%arg13 : memref<!tpu.dma_semaphore, #tpu.memory_space<semaphore_mem>>) src(%dma_wait3A_153 : memref<6400x32xi32, #tpu.memory_space<vmem_shared>>) dst(%arg10 : memref<1024x32xi32, #tpu.memory_space<vmem>>)
    %mul3A_154 = arith.constant 1024 : i32
    %mul3A_155 = arith.muli %add3A, %mul3A_154 : i32
    %multiple_of3A_156 = tpu.assume_multiple %mul3A_155, 1024 : i32
    %dma_start3A_157 = arith.constant 4 : i32
    %dma_start3A_158 = arith.constant 0 : i32
    %dma_start3A_159 = tpu.memref_slice %arg5[%dma_start3A_157, %multiple_of3A_156, %dma_start3A_158] : memref<5x32768x32xi32, #tpu.memory_space<hbm>> -> memref<1x1024x32xi32, #tpu.memory_space<hbm>>
    %dma_start3A_160 = tpu.memref_squeeze %dma_start3A_159 : memref<1x1024x32xi32, #tpu.memory_space<hbm>> -> memref<1024x32xi32, #tpu.memory_space<hbm>>
    %dma_start3A_161 = arith.constant 0 : i32
    %dma_start3A_162 = tpu.memref_slice %arg5[%dma_start3A_157, %multiple_of3A_156, %dma_start3A_161] : memref<5x32768x32xi32, #tpu.memory_space<hbm>> -> memref<1x1024x32xi32, #tpu.memory_space<hbm>>
    %dma_start3A_163 = tpu.memref_squeeze %dma_start3A_162 : memref<1x1024x32xi32, #tpu.memory_space<hbm>> -> memref<1024x32xi32, #tpu.memory_space<hbm>>
    tpu.enqueue_dma source(%arg10 : memref<1024x32xi32, #tpu.memory_space<vmem>>) target(%dma_start3A_163 : memref<1024x32xi32, #tpu.memory_space<hbm>>) target_semaphore(%arg15 : memref<!tpu.dma_semaphore, #tpu.memory_space<semaphore_mem>>)
    %dma_wait3A_164 = arith.constant 3 : i32
    %dma_wait3A_165 = arith.constant 0 : i32
    %dma_wait3A_166 = tpu.memref_slice %arg5[%dma_wait3A_164, %multiple_of3A_143, %dma_wait3A_165] : memref<5x32768x32xi32, #tpu.memory_space<hbm>> -> memref<1x1024x32xi32, #tpu.memory_space<hbm>>
    %dma_wait3A_167 = tpu.memref_squeeze %dma_wait3A_166 : memref<1x1024x32xi32, #tpu.memory_space<hbm>> -> memref<1024x32xi32, #tpu.memory_space<hbm>>
    %dma_wait3A_168 = arith.constant 0 : i32
    %dma_wait3A_169 = tpu.memref_slice %arg5[%dma_wait3A_164, %multiple_of3A_143, %dma_wait3A_168] : memref<5x32768x32xi32, #tpu.memory_space<hbm>> -> memref<1x1024x32xi32, #tpu.memory_space<hbm>>
    %dma_wait3A_170 = tpu.memref_squeeze %dma_wait3A_169 : memref<1x1024x32xi32, #tpu.memory_space<hbm>> -> memref<1024x32xi32, #tpu.memory_space<hbm>>
    tpu.wait_dma2 semaphore(%arg16 : memref<!tpu.dma_semaphore, #tpu.memory_space<semaphore_mem>>) src(%arg11 : memref<1024x32xi32, #tpu.memory_space<vmem>>) dst(%dma_wait3A_170 : memref<1024x32xi32, #tpu.memory_space<hbm>>)
    %dma_wait3A_171 = arith.constant 4 : i32
    %dma_wait3A_172 = arith.constant 0 : i32
    %dma_wait3A_173 = tpu.memref_slice %arg5[%dma_wait3A_171, %multiple_of3A_156, %dma_wait3A_172] : memref<5x32768x32xi32, #tpu.memory_space<hbm>> -> memref<1x1024x32xi32, #tpu.memory_space<hbm>>
    %dma_wait3A_174 = tpu.memref_squeeze %dma_wait3A_173 : memref<1x1024x32xi32, #tpu.memory_space<hbm>> -> memref<1024x32xi32, #tpu.memory_space<hbm>>
    %dma_wait3A_175 = arith.constant 0 : i32
    %dma_wait3A_176 = tpu.memref_slice %arg5[%dma_wait3A_171, %multiple_of3A_156, %dma_wait3A_175] : memref<5x32768x32xi32, #tpu.memory_space<hbm>> -> memref<1x1024x32xi32, #tpu.memory_space<hbm>>
    %dma_wait3A_177 = tpu.memref_squeeze %dma_wait3A_176 : memref<1x1024x32xi32, #tpu.memory_space<hbm>> -> memref<1024x32xi32, #tpu.memory_space<hbm>>
    tpu.wait_dma2 semaphore(%arg15 : memref<!tpu.dma_semaphore, #tpu.memory_space<semaphore_mem>>) src(%arg10 : memref<1024x32xi32, #tpu.memory_space<vmem>>) dst(%dma_wait3A_177 : memref<1024x32xi32, #tpu.memory_space<hbm>>)
    return
  }
}

module attributes {stable_mosaic.version = 14 : i64} {
  func.func @_mlp_body(%arg0: i32, %arg1: memref<5x2048x128xi32, #tpu.memory_space<vmem>>, %arg2: memref<5x256x128xbf16, #tpu.memory_space<vmem>>, %arg3: memref<1x128xf32, #tpu.memory_space<vmem>>, %arg4: memref<128x64xf32, #tpu.memory_space<vmem>>, %arg5: memref<1x64xf32, #tpu.memory_space<vmem>>, %arg6: memref<64x2xf32, #tpu.memory_space<vmem>>, %arg7: memref<1x2xf32, #tpu.memory_space<vmem>>, %arg8: memref<2048x2xf32, #tpu.memory_space<vmem>>) attributes {dimension_semantics = [#tpu.dimension_semantics<arbitrary>], iteration_bounds = array<i64: 4>, scalar_prefetch = 0 : i64, scratch_operands = 0 : i64, tpu.core_type = #tpu.core_type<tc>, window_params = [{transform_indices = @transform_0, window_bounds = array<i64: 5, 2048, 128>}, {pipeline_mode = #tpu.pipeline_mode<synchronous>, transform_indices = @transform_1, window_bounds = array<i64: 5, 256, 128>}, {pipeline_mode = #tpu.pipeline_mode<synchronous>, transform_indices = @transform_2, window_bounds = array<i64: 1, 128>}, {pipeline_mode = #tpu.pipeline_mode<synchronous>, transform_indices = @transform_3, window_bounds = array<i64: 128, 64>}, {pipeline_mode = #tpu.pipeline_mode<synchronous>, transform_indices = @transform_4, window_bounds = array<i64: 1, 64>}, {pipeline_mode = #tpu.pipeline_mode<synchronous>, transform_indices = @transform_5, window_bounds = array<i64: 64, 2>}, {pipeline_mode = #tpu.pipeline_mode<synchronous>, transform_indices = @transform_6, window_bounds = array<i64: 1, 2>}, {transform_indices = @transform_7, window_bounds = array<i64: 2048, 2>}]} {
    %get3A = arith.constant 0 : index
    %get3A_0 = arith.constant 0 : index
    %get3A_1 = arith.constant 0 : index
    %get3A_2 = vector.load %arg1[%get3A, %get3A_0, %get3A_1] : memref<5x2048x128xi32, #tpu.memory_space<vmem>>, vector<1x2048x128xi32>
    %get3A_3 = vector.shape_cast %get3A_2 : vector<1x2048x128xi32> to vector<2048x128xi32>
    %shift_left3A = arith.constant 16 : i32
    %shift_left3A_4 = vector.broadcast %shift_left3A : i32 to vector<2048x128xi32>
    %shift_left3A_5 = arith.shli %get3A_3, %shift_left3A_4 : vector<2048x128xi32>
    %bitcast_convert_type3A = tpu.bitcast %shift_left3A_5 : vector<2048x128xi32> -> vector<2048x128xf32>
    %and3A = arith.constant -65536 : i32
    %and3A_6 = vector.broadcast %and3A : i32 to vector<2048x128xi32>
    %and3A_7 = arith.andi %get3A_3, %and3A_6 : vector<2048x128xi32>
    %bitcast_convert_type3A_8 = tpu.bitcast %and3A_7 : vector<2048x128xi32> -> vector<2048x128xf32>
    %convert_element_type3A = arith.truncf %bitcast_convert_type3A : vector<2048x128xf32> to vector<2048x128xbf16>
    %get3A_9 = arith.constant 0 : index
    %get3A_10 = arith.constant 0 : index
    %get3A_11 = arith.constant 0 : index
    %get3A_12 = vector.load %arg2[%get3A_9, %get3A_10, %get3A_11] : memref<5x256x128xbf16, #tpu.memory_space<vmem>>, vector<1x128x128xbf16>
    %get3A_13 = vector.shape_cast %get3A_12 : vector<1x128x128xbf16> to vector<128x128xbf16>
    %dot_general3A = arith.constant dense<0.000000e+00> : vector<2048x128xf32>
    %dot_general3A_14 = tpu.matmul %convert_element_type3A, %get3A_13, %dot_general3A {dimension_numbers = #tpu.dot_dimension_numbers<[1], [0], [0], [1], [0, 0, 1, 1], [], []>, transpose_lhs_hint = false} : vector<2048x128xbf16>, vector<128x128xbf16>, vector<2048x128xf32> -> vector<2048x128xf32>
    %convert_element_type3A_15 = arith.truncf %bitcast_convert_type3A_8 : vector<2048x128xf32> to vector<2048x128xbf16>
    %get3A_16 = arith.constant 0 : index
    %get3A_17 = arith.constant 128 : index
    %get3A_18 = arith.constant 0 : index
    %get3A_19 = vector.load %arg2[%get3A_16, %get3A_17, %get3A_18] : memref<5x256x128xbf16, #tpu.memory_space<vmem>>, vector<1x128x128xbf16>
    %get3A_20 = vector.shape_cast %get3A_19 : vector<1x128x128xbf16> to vector<128x128xbf16>
    %dot_general3A_21 = arith.constant dense<0.000000e+00> : vector<2048x128xf32>
    %dot_general3A_22 = tpu.matmul %convert_element_type3A_15, %get3A_20, %dot_general3A_21 {dimension_numbers = #tpu.dot_dimension_numbers<[1], [0], [0], [1], [0, 0, 1, 1], [], []>, transpose_lhs_hint = false} : vector<2048x128xbf16>, vector<128x128xbf16>, vector<2048x128xf32> -> vector<2048x128xf32>
    %add3A = arith.addf %dot_general3A_14, %dot_general3A_22 : vector<2048x128xf32>
    %get3A_23 = arith.constant 1 : index
    %get3A_24 = arith.constant 0 : index
    %get3A_25 = arith.constant 0 : index
    %get3A_26 = vector.load %arg1[%get3A_23, %get3A_24, %get3A_25] : memref<5x2048x128xi32, #tpu.memory_space<vmem>>, vector<1x2048x128xi32>
    %get3A_27 = vector.shape_cast %get3A_26 : vector<1x2048x128xi32> to vector<2048x128xi32>
    %shift_left3A_28 = arith.constant 16 : i32
    %shift_left3A_29 = vector.broadcast %shift_left3A_28 : i32 to vector<2048x128xi32>
    %shift_left3A_30 = arith.shli %get3A_27, %shift_left3A_29 : vector<2048x128xi32>
    %bitcast_convert_type3A_31 = tpu.bitcast %shift_left3A_30 : vector<2048x128xi32> -> vector<2048x128xf32>
    %and3A_32 = arith.constant -65536 : i32
    %and3A_33 = vector.broadcast %and3A_32 : i32 to vector<2048x128xi32>
    %and3A_34 = arith.andi %get3A_27, %and3A_33 : vector<2048x128xi32>
    %bitcast_convert_type3A_35 = tpu.bitcast %and3A_34 : vector<2048x128xi32> -> vector<2048x128xf32>
    %convert_element_type3A_36 = arith.truncf %bitcast_convert_type3A_31 : vector<2048x128xf32> to vector<2048x128xbf16>
    %get3A_37 = arith.constant 1 : index
    %get3A_38 = arith.constant 0 : index
    %get3A_39 = arith.constant 0 : index
    %get3A_40 = vector.load %arg2[%get3A_37, %get3A_38, %get3A_39] : memref<5x256x128xbf16, #tpu.memory_space<vmem>>, vector<1x128x128xbf16>
    %get3A_41 = vector.shape_cast %get3A_40 : vector<1x128x128xbf16> to vector<128x128xbf16>
    %dot_general3A_42 = arith.constant dense<0.000000e+00> : vector<2048x128xf32>
    %dot_general3A_43 = tpu.matmul %convert_element_type3A_36, %get3A_41, %dot_general3A_42 {dimension_numbers = #tpu.dot_dimension_numbers<[1], [0], [0], [1], [0, 0, 1, 1], [], []>, transpose_lhs_hint = false} : vector<2048x128xbf16>, vector<128x128xbf16>, vector<2048x128xf32> -> vector<2048x128xf32>
    %convert_element_type3A_44 = arith.truncf %bitcast_convert_type3A_35 : vector<2048x128xf32> to vector<2048x128xbf16>
    %get3A_45 = arith.constant 1 : index
    %get3A_46 = arith.constant 128 : index
    %get3A_47 = arith.constant 0 : index
    %get3A_48 = vector.load %arg2[%get3A_45, %get3A_46, %get3A_47] : memref<5x256x128xbf16, #tpu.memory_space<vmem>>, vector<1x128x128xbf16>
    %get3A_49 = vector.shape_cast %get3A_48 : vector<1x128x128xbf16> to vector<128x128xbf16>
    %dot_general3A_50 = arith.constant dense<0.000000e+00> : vector<2048x128xf32>
    %dot_general3A_51 = tpu.matmul %convert_element_type3A_44, %get3A_49, %dot_general3A_50 {dimension_numbers = #tpu.dot_dimension_numbers<[1], [0], [0], [1], [0, 0, 1, 1], [], []>, transpose_lhs_hint = false} : vector<2048x128xbf16>, vector<128x128xbf16>, vector<2048x128xf32> -> vector<2048x128xf32>
    %add3A_52 = arith.addf %dot_general3A_43, %dot_general3A_51 : vector<2048x128xf32>
    %add3A_53 = arith.addf %add3A, %add3A_52 : vector<2048x128xf32>
    %get3A_54 = arith.constant 2 : index
    %get3A_55 = arith.constant 0 : index
    %get3A_56 = arith.constant 0 : index
    %get3A_57 = vector.load %arg1[%get3A_54, %get3A_55, %get3A_56] : memref<5x2048x128xi32, #tpu.memory_space<vmem>>, vector<1x2048x128xi32>
    %get3A_58 = vector.shape_cast %get3A_57 : vector<1x2048x128xi32> to vector<2048x128xi32>
    %shift_left3A_59 = arith.constant 16 : i32
    %shift_left3A_60 = vector.broadcast %shift_left3A_59 : i32 to vector<2048x128xi32>
    %shift_left3A_61 = arith.shli %get3A_58, %shift_left3A_60 : vector<2048x128xi32>
    %bitcast_convert_type3A_62 = tpu.bitcast %shift_left3A_61 : vector<2048x128xi32> -> vector<2048x128xf32>
    %and3A_63 = arith.constant -65536 : i32
    %and3A_64 = vector.broadcast %and3A_63 : i32 to vector<2048x128xi32>
    %and3A_65 = arith.andi %get3A_58, %and3A_64 : vector<2048x128xi32>
    %bitcast_convert_type3A_66 = tpu.bitcast %and3A_65 : vector<2048x128xi32> -> vector<2048x128xf32>
    %convert_element_type3A_67 = arith.truncf %bitcast_convert_type3A_62 : vector<2048x128xf32> to vector<2048x128xbf16>
    %get3A_68 = arith.constant 2 : index
    %get3A_69 = arith.constant 0 : index
    %get3A_70 = arith.constant 0 : index
    %get3A_71 = vector.load %arg2[%get3A_68, %get3A_69, %get3A_70] : memref<5x256x128xbf16, #tpu.memory_space<vmem>>, vector<1x128x128xbf16>
    %get3A_72 = vector.shape_cast %get3A_71 : vector<1x128x128xbf16> to vector<128x128xbf16>
    %dot_general3A_73 = arith.constant dense<0.000000e+00> : vector<2048x128xf32>
    %dot_general3A_74 = tpu.matmul %convert_element_type3A_67, %get3A_72, %dot_general3A_73 {dimension_numbers = #tpu.dot_dimension_numbers<[1], [0], [0], [1], [0, 0, 1, 1], [], []>, transpose_lhs_hint = false} : vector<2048x128xbf16>, vector<128x128xbf16>, vector<2048x128xf32> -> vector<2048x128xf32>
    %convert_element_type3A_75 = arith.truncf %bitcast_convert_type3A_66 : vector<2048x128xf32> to vector<2048x128xbf16>
    %get3A_76 = arith.constant 2 : index
    %get3A_77 = arith.constant 128 : index
    %get3A_78 = arith.constant 0 : index
    %get3A_79 = vector.load %arg2[%get3A_76, %get3A_77, %get3A_78] : memref<5x256x128xbf16, #tpu.memory_space<vmem>>, vector<1x128x128xbf16>
    %get3A_80 = vector.shape_cast %get3A_79 : vector<1x128x128xbf16> to vector<128x128xbf16>
    %dot_general3A_81 = arith.constant dense<0.000000e+00> : vector<2048x128xf32>
    %dot_general3A_82 = tpu.matmul %convert_element_type3A_75, %get3A_80, %dot_general3A_81 {dimension_numbers = #tpu.dot_dimension_numbers<[1], [0], [0], [1], [0, 0, 1, 1], [], []>, transpose_lhs_hint = false} : vector<2048x128xbf16>, vector<128x128xbf16>, vector<2048x128xf32> -> vector<2048x128xf32>
    %add3A_83 = arith.addf %dot_general3A_74, %dot_general3A_82 : vector<2048x128xf32>
    %add3A_84 = arith.addf %add3A_53, %add3A_83 : vector<2048x128xf32>
    %get3A_85 = arith.constant 3 : index
    %get3A_86 = arith.constant 0 : index
    %get3A_87 = arith.constant 0 : index
    %get3A_88 = vector.load %arg1[%get3A_85, %get3A_86, %get3A_87] : memref<5x2048x128xi32, #tpu.memory_space<vmem>>, vector<1x2048x128xi32>
    %get3A_89 = vector.shape_cast %get3A_88 : vector<1x2048x128xi32> to vector<2048x128xi32>
    %shift_left3A_90 = arith.constant 16 : i32
    %shift_left3A_91 = vector.broadcast %shift_left3A_90 : i32 to vector<2048x128xi32>
    %shift_left3A_92 = arith.shli %get3A_89, %shift_left3A_91 : vector<2048x128xi32>
    %bitcast_convert_type3A_93 = tpu.bitcast %shift_left3A_92 : vector<2048x128xi32> -> vector<2048x128xf32>
    %and3A_94 = arith.constant -65536 : i32
    %and3A_95 = vector.broadcast %and3A_94 : i32 to vector<2048x128xi32>
    %and3A_96 = arith.andi %get3A_89, %and3A_95 : vector<2048x128xi32>
    %bitcast_convert_type3A_97 = tpu.bitcast %and3A_96 : vector<2048x128xi32> -> vector<2048x128xf32>
    %convert_element_type3A_98 = arith.truncf %bitcast_convert_type3A_93 : vector<2048x128xf32> to vector<2048x128xbf16>
    %get3A_99 = arith.constant 3 : index
    %get3A_100 = arith.constant 0 : index
    %get3A_101 = arith.constant 0 : index
    %get3A_102 = vector.load %arg2[%get3A_99, %get3A_100, %get3A_101] : memref<5x256x128xbf16, #tpu.memory_space<vmem>>, vector<1x128x128xbf16>
    %get3A_103 = vector.shape_cast %get3A_102 : vector<1x128x128xbf16> to vector<128x128xbf16>
    %dot_general3A_104 = arith.constant dense<0.000000e+00> : vector<2048x128xf32>
    %dot_general3A_105 = tpu.matmul %convert_element_type3A_98, %get3A_103, %dot_general3A_104 {dimension_numbers = #tpu.dot_dimension_numbers<[1], [0], [0], [1], [0, 0, 1, 1], [], []>, transpose_lhs_hint = false} : vector<2048x128xbf16>, vector<128x128xbf16>, vector<2048x128xf32> -> vector<2048x128xf32>
    %convert_element_type3A_106 = arith.truncf %bitcast_convert_type3A_97 : vector<2048x128xf32> to vector<2048x128xbf16>
    %get3A_107 = arith.constant 3 : index
    %get3A_108 = arith.constant 128 : index
    %get3A_109 = arith.constant 0 : index
    %get3A_110 = vector.load %arg2[%get3A_107, %get3A_108, %get3A_109] : memref<5x256x128xbf16, #tpu.memory_space<vmem>>, vector<1x128x128xbf16>
    %get3A_111 = vector.shape_cast %get3A_110 : vector<1x128x128xbf16> to vector<128x128xbf16>
    %dot_general3A_112 = arith.constant dense<0.000000e+00> : vector<2048x128xf32>
    %dot_general3A_113 = tpu.matmul %convert_element_type3A_106, %get3A_111, %dot_general3A_112 {dimension_numbers = #tpu.dot_dimension_numbers<[1], [0], [0], [1], [0, 0, 1, 1], [], []>, transpose_lhs_hint = false} : vector<2048x128xbf16>, vector<128x128xbf16>, vector<2048x128xf32> -> vector<2048x128xf32>
    %add3A_114 = arith.addf %dot_general3A_105, %dot_general3A_113 : vector<2048x128xf32>
    %add3A_115 = arith.addf %add3A_84, %add3A_114 : vector<2048x128xf32>
    %get3A_116 = arith.constant 4 : index
    %get3A_117 = arith.constant 0 : index
    %get3A_118 = arith.constant 0 : index
    %get3A_119 = vector.load %arg1[%get3A_116, %get3A_117, %get3A_118] : memref<5x2048x128xi32, #tpu.memory_space<vmem>>, vector<1x2048x128xi32>
    %get3A_120 = vector.shape_cast %get3A_119 : vector<1x2048x128xi32> to vector<2048x128xi32>
    %shift_left3A_121 = arith.constant 16 : i32
    %shift_left3A_122 = vector.broadcast %shift_left3A_121 : i32 to vector<2048x128xi32>
    %shift_left3A_123 = arith.shli %get3A_120, %shift_left3A_122 : vector<2048x128xi32>
    %bitcast_convert_type3A_124 = tpu.bitcast %shift_left3A_123 : vector<2048x128xi32> -> vector<2048x128xf32>
    %and3A_125 = arith.constant -65536 : i32
    %and3A_126 = vector.broadcast %and3A_125 : i32 to vector<2048x128xi32>
    %and3A_127 = arith.andi %get3A_120, %and3A_126 : vector<2048x128xi32>
    %bitcast_convert_type3A_128 = tpu.bitcast %and3A_127 : vector<2048x128xi32> -> vector<2048x128xf32>
    %convert_element_type3A_129 = arith.truncf %bitcast_convert_type3A_124 : vector<2048x128xf32> to vector<2048x128xbf16>
    %get3A_130 = arith.constant 4 : index
    %get3A_131 = arith.constant 0 : index
    %get3A_132 = arith.constant 0 : index
    %get3A_133 = vector.load %arg2[%get3A_130, %get3A_131, %get3A_132] : memref<5x256x128xbf16, #tpu.memory_space<vmem>>, vector<1x128x128xbf16>
    %get3A_134 = vector.shape_cast %get3A_133 : vector<1x128x128xbf16> to vector<128x128xbf16>
    %dot_general3A_135 = arith.constant dense<0.000000e+00> : vector<2048x128xf32>
    %dot_general3A_136 = tpu.matmul %convert_element_type3A_129, %get3A_134, %dot_general3A_135 {dimension_numbers = #tpu.dot_dimension_numbers<[1], [0], [0], [1], [0, 0, 1, 1], [], []>, transpose_lhs_hint = false} : vector<2048x128xbf16>, vector<128x128xbf16>, vector<2048x128xf32> -> vector<2048x128xf32>
    %convert_element_type3A_137 = arith.truncf %bitcast_convert_type3A_128 : vector<2048x128xf32> to vector<2048x128xbf16>
    %get3A_138 = arith.constant 4 : index
    %get3A_139 = arith.constant 128 : index
    %get3A_140 = arith.constant 0 : index
    %get3A_141 = vector.load %arg2[%get3A_138, %get3A_139, %get3A_140] : memref<5x256x128xbf16, #tpu.memory_space<vmem>>, vector<1x128x128xbf16>
    %get3A_142 = vector.shape_cast %get3A_141 : vector<1x128x128xbf16> to vector<128x128xbf16>
    %dot_general3A_143 = arith.constant dense<0.000000e+00> : vector<2048x128xf32>
    %dot_general3A_144 = tpu.matmul %convert_element_type3A_137, %get3A_142, %dot_general3A_143 {dimension_numbers = #tpu.dot_dimension_numbers<[1], [0], [0], [1], [0, 0, 1, 1], [], []>, transpose_lhs_hint = false} : vector<2048x128xbf16>, vector<128x128xbf16>, vector<2048x128xf32> -> vector<2048x128xf32>
    %add3A_145 = arith.addf %dot_general3A_136, %dot_general3A_144 : vector<2048x128xf32>
    %add3A_146 = arith.addf %add3A_115, %add3A_145 : vector<2048x128xf32>
    %get3A_147 = arith.constant 0 : index
    %get3A_148 = arith.constant 0 : index
    %get3A_149 = vector.load %arg3[%get3A_147, %get3A_148] : memref<1x128xf32, #tpu.memory_space<vmem>>, vector<1x128xf32>
    %add3A_150 = vector.broadcast %get3A_149 : vector<1x128xf32> to vector<2048x128xf32>
    %add3A_151 = arith.addf %add3A_146, %add3A_150 : vector<2048x128xf32>
    %max3A = arith.constant 0.000000e+00 : f32
    %max3A_152 = vector.broadcast %max3A : f32 to vector<2048x128xf32>
    %max3A_153 = arith.maximumf %add3A_151, %max3A_152 : vector<2048x128xf32>
    %get3A_154 = arith.constant 0 : index
    %get3A_155 = arith.constant 0 : index
    %get3A_156 = vector.load %arg4[%get3A_154, %get3A_155] : memref<128x64xf32, #tpu.memory_space<vmem>>, vector<128x64xf32>
    %dot_general3A_157 = arith.constant dense<0.000000e+00> : vector<2048x64xf32>
    %dot_general3A_158 = tpu.matmul %max3A_153, %get3A_156, %dot_general3A_157 {dimension_numbers = #tpu.dot_dimension_numbers<[1], [0], [0], [1], [0, 0, 1, 1], [], []>, transpose_lhs_hint = false} : vector<2048x128xf32>, vector<128x64xf32>, vector<2048x64xf32> -> vector<2048x64xf32>
    %get3A_159 = arith.constant 0 : index
    %get3A_160 = arith.constant 0 : index
    %get3A_161 = vector.load %arg5[%get3A_159, %get3A_160] : memref<1x64xf32, #tpu.memory_space<vmem>>, vector<1x64xf32>
    %add3A_162 = vector.broadcast %get3A_161 : vector<1x64xf32> to vector<2048x64xf32>
    %add3A_163 = arith.addf %dot_general3A_158, %add3A_162 : vector<2048x64xf32>
    %max3A_164 = arith.constant 0.000000e+00 : f32
    %max3A_165 = vector.broadcast %max3A_164 : f32 to vector<2048x64xf32>
    %max3A_166 = arith.maximumf %add3A_163, %max3A_165 : vector<2048x64xf32>
    %get3A_167 = arith.constant 0 : index
    %get3A_168 = arith.constant 0 : index
    %get3A_169 = vector.load %arg6[%get3A_167, %get3A_168] : memref<64x2xf32, #tpu.memory_space<vmem>>, vector<64x2xf32>
    %dot_general3A_170 = arith.constant dense<0.000000e+00> : vector<2048x2xf32>
    %dot_general3A_171 = tpu.matmul %max3A_166, %get3A_169, %dot_general3A_170 {dimension_numbers = #tpu.dot_dimension_numbers<[1], [0], [0], [1], [0, 0, 1, 1], [], []>, transpose_lhs_hint = false} : vector<2048x64xf32>, vector<64x2xf32>, vector<2048x2xf32> -> vector<2048x2xf32>
    %get3A_172 = arith.constant 0 : index
    %get3A_173 = arith.constant 0 : index
    %get3A_174 = vector.load %arg7[%get3A_172, %get3A_173] : memref<1x2xf32, #tpu.memory_space<vmem>>, vector<1x2xf32>
    %add3A_175 = vector.broadcast %get3A_174 : vector<1x2xf32> to vector<2048x2xf32>
    %add3A_176 = arith.addf %dot_general3A_171, %add3A_175 : vector<2048x2xf32>
    %swap3A = arith.constant 0 : index
    %swap3A_177 = arith.constant 0 : index
    %swap3A_178 = vector.load %arg8[%swap3A, %swap3A_177] : memref<2048x2xf32, #tpu.memory_space<vmem>>, vector<2048x2xf32>
    tpu.vector_store %arg8[%swap3A, %swap3A_177], %add3A_176 {strides = array<i32>} : memref<2048x2xf32, #tpu.memory_space<vmem>>, vector<2048x2xf32>,
    return
  }
  func.func @transform_0(%arg0: i32) -> (i32, i32, i32) {
    %c0_i32 = arith.constant 0 : i32
    %c0_i32_0 = arith.constant 0 : i32
    %c0_i32_1 = arith.constant 0 : i32
    return %c0_i32, %arg0, %c0_i32_0 : i32, i32, i32
  }
  func.func @transform_1(%arg0: i32) -> (i32, i32, i32) {
    %c0_i32 = arith.constant 0 : i32
    %c0_i32_0 = arith.constant 0 : i32
    %c0_i32_1 = arith.constant 0 : i32
    %c0_i32_2 = arith.constant 0 : i32
    return %c0_i32, %c0_i32_0, %c0_i32_1 : i32, i32, i32
  }
  func.func @transform_2(%arg0: i32) -> (i32, i32) {
    %c0_i32 = arith.constant 0 : i32
    %c0_i32_0 = arith.constant 0 : i32
    %c0_i32_1 = arith.constant 0 : i32
    return %c0_i32, %c0_i32_0 : i32, i32
  }
  func.func @transform_3(%arg0: i32) -> (i32, i32) {
    %c0_i32 = arith.constant 0 : i32
    %c0_i32_0 = arith.constant 0 : i32
    %c0_i32_1 = arith.constant 0 : i32
    return %c0_i32, %c0_i32_0 : i32, i32
  }
  func.func @transform_4(%arg0: i32) -> (i32, i32) {
    %c0_i32 = arith.constant 0 : i32
    %c0_i32_0 = arith.constant 0 : i32
    %c0_i32_1 = arith.constant 0 : i32
    return %c0_i32, %c0_i32_0 : i32, i32
  }
  func.func @transform_5(%arg0: i32) -> (i32, i32) {
    %c0_i32 = arith.constant 0 : i32
    %c0_i32_0 = arith.constant 0 : i32
    %c0_i32_1 = arith.constant 0 : i32
    return %c0_i32, %c0_i32_0 : i32, i32
  }
  func.func @transform_6(%arg0: i32) -> (i32, i32) {
    %c0_i32 = arith.constant 0 : i32
    %c0_i32_0 = arith.constant 0 : i32
    %c0_i32_1 = arith.constant 0 : i32
    return %c0_i32, %c0_i32_0 : i32, i32
  }
  func.func @transform_7(%arg0: i32) -> (i32, i32) {
    %c0_i32 = arith.constant 0 : i32
    %c0_i32_0 = arith.constant 0 : i32
    return %arg0, %c0_i32 : i32, i32
  }
}

</mosaic_0001>

<sc_bundles>
// kernel: kernel.6.cloned.1.call-start
scs
__scs_entry_jumppad:
0x0: {  	(pc) =	sbr.rel $0x88, $3  }
0x1: {  	(tag) =	ssettag $0x0;
	lr =	simm.s32 $0x1  }
0x2: {  	[smem:$0x3F99] =	sst lr;
	_ =	strace $0xD0000000  }
0x3: {  	_ = 	snop  }
0x4: {  	_ = 	snop  }
0x5: {  	_ = 	snop  }
0x6: {  	_ = 	snop  }
0x7: {  	_ = 	snop  }
__scs_overlays_trampoline_lowered:
0x8: {  	[smem:$0x3FA8] =	sst s0  }
0x9: {  	[smem:$0x3FA9] =	sst s1  }
0xa: {  	[smem:$0x3FAA] =	sst s2  }
0xb: {  	[smem:$0x3FAB] =	sst s3  }
0xc: {  	[smem:$0x3FAC] =	sst s4  }
0xd: {  	[smem:$0x3FAD] =	sst s5  }
0xe: {  	[smem:$0x3FAE] =	sst s6  }
0xf: {  	[smem:$0x3FAF] =	sst s7  }
0x10: {  	[smem:$0x3FB0] =	sst s8  }
0x11: {  	[smem:$0x3FB1] =	sst s9;
	s0 =	simm.s32 @!p0 $0x0  }
0x12: {  	s1 =	sld [smem:$0x3F97];
	s0 =	simm.s32 @p0 $0x1  }
0x13: {  	[smem:$0x3FB2] =	sst s0;
	s0 =	simm.s32 @!p1 $0x0  }
0x14: {  	s2 =	sld [smem:$0x3F96];
	s0 =	simm.s32 @p1 $0x1  }
0x15: {  	[smem:$0x3FB3] =	sst s0;
	s0 =	simm.s32 @!p2 $0x0  }
0x16: {  	s3 =	sld [smem:$0x3FDB];
	s0 =	simm.s32 @p2 $0x1  }
0x17: {  	s4 =	simm.s32 $0x1BF5;
	[smem:$0x3FB5] =	sst s0  }
0x18: {  	s0 =	sld [smem:$0x3F98];
	_ =	swait.ge [sflag:s4], $0x0  }
0x19: {  	s7 =	sld [smem:$0x3F99]  }
0x1a: {  	s8 =	sadd.s32 $0xFFFFE003, lr  }
0x1b: {  	s9 =	sadd.s32 $0xFFFFFEF7, lr;
	s5 =	simm.s32 $0xFFFFFFFF;
	p2 =	slt.u32 s8, $0xFFFFF086  }
0x1c: {  	p1 =	slt.u32 s9, $0xF7A;
	s5 =	simm.s32 @!p2 $0x0  }
0x1d: {  	s5 =	simm.s32 @p1 $0x1;
	p0 =	seq.s32 s7, s2  }
0x1e: {  	s7 =	smul.u32 @!p0 $0xF7A, s2;
	p2 =	seq.s32 @!p0 s5, $0x0  }
0x1f: {  	s9 =	smul.u32 $0xF7A, s1;
	s8 =	simm.s32 @!p0 $0x1BF5;
	p2 =	por !p2, p0  }
0x20: {  	[sflag:s8] =	ssyncset.s32 @!p0 $0xFFFFF086;
	s6 =	sadd.s32 @!p0 s3, s7;
	s7 =	simm.s32 @!p0 $0x108  }
0x21: {  	s3 =	sadd.s32 s3, s9;
	s6 =	sadd.s32 @!p0 $0x88, s6;
	s7 =	simm.s32 @p2 $0x1082  }
0x22: {  	[simem:s7], [sflag:s8] =	dma.local @!p0 [hbm:s6], $0xF7A  }
0x23: {  	s9 =	sor.u32 $0xD0000000, s2;
	s6 =	simm.s32 $0x108;
	_ =	swait.ge @!p0 [sflag:s8], $0x0  }
0x24: {  	s3 =	sadd.s32 $0x88, s3;
	s6 =	simm.s32 @!p1 $0x1082;
	[sflag:s4] =	ssyncset.s32 $0xFFFFF086  }
0x25: {  	[simem:s6], [sflag:s4] =	dma.local [hbm:s3], $0xF7A  }
0x26: {  	[smem:$0x3F99] =	sst s1;
	(tag) =	ssettag s2;
	_ =	strace s9  }
0x27: {  	s1 =	sld [smem:$0x3FA9]  }
0x28: {  	s2 =	sld [smem:$0x3FAA]  }
0x29: {  	s4 =	sld [smem:$0x3FAC]  }
0x2a: {  	p0 =	seq.s32 s5, $0x0;
	s5 =	sld [smem:$0x3FAD]  }
0x2b: {  	s6 =	sld [smem:$0x3FAE]  }
0x2c: {  	s7 =	sld [smem:$0x3FAF]  }
0x2d: {  	s3 =	simm.s32 $0x108;
	s8 =	sld [smem:$0x3FB0]  }
0x2e: {  	s3 =	simm.s32 @!p0 $0x1082;
	s9 =	sld [smem:$0x3FB1]  }
0x2f: {  	lr =	sadd.s32 s0, s3;
	s0 =	sld [smem:$0x3FA8]  }
0x30: {  	s3 =	sld [smem:$0x3FAB]  }
0x31: {  	[smem:$0x3FB4] =	sst s10  }
0x32: {  	s10 =	sld [smem:$0x3FB2];
	_ =	sdelay $0x3  }
0x33: {  	p0 =	seq.s32 s10, $0x1;
	s10 =	sld [smem:$0x3FB4];
	_ =	sdelay $0x3  }
0x34: {  	[smem:$0x3FB4] =	sst s10  }
0x35: {  	s10 =	sld [smem:$0x3FB3];
	_ =	sdelay $0x3  }
0x36: {  	p1 =	seq.s32 s10, $0x1;
	s10 =	sld [smem:$0x3FB4];
	_ =	sdelay $0x3  }
0x37: {  	[smem:$0x3FB4] =	sst s10  }
0x38: {  	s10 =	sld [smem:$0x3FB5]  }
0x39: {  	_ = 	snop;
	(pc) =	sbr.ind lr, $3  }
0x3a: {  	_ = 	snop  }
0x3b: {  	_ = 	snop  }
0x3c: {  	p2 =	seq.s32 s10, $0x1;
	s10 =	sld [smem:$0x3FB4]  }
0x3d: {  	_ =	shalt  }
0x3e: {  	_ =	shalt  }
0x3f: {  	_ =	shalt  }
0x40: {  	_ =	shalt  }
0x41: {  	_ =	shalt  }
0x42: {  	_ =	shalt  }
0x43: {  	_ =	shalt  }
0x44: {  	_ =	shalt  }
0x45: {  	_ =	shalt  }
0x46: {  	_ =	shalt  }
0x47: {  	_ =	shalt  }
0x48: {  	_ =	shalt  }
0x49: {  	_ =	shalt  }
0x4a: {  	_ =	shalt  }
0x4b: {  	_ =	shalt  }
0x4c: {  	_ =	shalt  }
0x4d: {  	_ =	shalt  }
0x4e: {  	_ =	shalt  }
0x4f: {  	_ =	shalt  }
0x50: {  	_ =	shalt  }
0x51: {  	_ =	shalt  }
0x52: {  	_ =	shalt  }
0x53: {  	_ =	shalt  }
0x54: {  	_ =	shalt  }
0x55: {  	_ =	shalt  }
0x56: {  	_ =	shalt  }
0x57: {  	_ =	shalt  }
0x58: {  	_ =	shalt  }
0x59: {  	_ =	shalt  }
0x5a: {  	_ =	shalt  }
0x5b: {  	_ =	shalt  }
0x5c: {  	_ =	shalt  }
0x5d: {  	_ =	shalt  }
0x5e: {  	_ =	shalt  }
0x5f: {  	_ =	shalt  }
0x60: {  	_ =	shalt  }
0x61: {  	_ =	shalt  }
0x62: {  	_ =	shalt  }
0x63: {  	_ =	shalt  }
0x64: {  	_ =	shalt  }
0x65: {  	_ =	shalt  }
0x66: {  	_ =	shalt  }
0x67: {  	_ =	shalt  }
0x68: {  	_ =	shalt  }
0x69: {  	_ =	shalt  }
0x6a: {  	_ =	shalt  }
0x6b: {  	_ =	shalt  }
0x6c: {  	_ =	shalt  }
0x6d: {  	_ =	shalt  }
0x6e: {  	_ =	shalt  }
0x6f: {  	_ =	shalt  }
0x70: {  	_ =	shalt  }
0x71: {  	_ =	shalt  }
0x72: {  	_ =	shalt  }
0x73: {  	_ =	shalt  }
0x74: {  	_ =	shalt  }
0x75: {  	_ =	shalt  }
0x76: {  	_ =	shalt  }
0x77: {  	_ =	shalt  }
0x78: {  	_ =	shalt  }
0x79: {  	_ =	shalt  }
0x7a: {  	_ =	shalt  }
0x7b: {  	_ =	shalt  }
0x7c: {  	_ =	shalt  }
0x7d: {  	_ =	shalt  }
0x7e: {  	_ =	shalt  }
0x7f: {  	_ =	shalt  }
0x80: {  	_ =	shalt  }
0x81: {  	_ =	shalt  }
0x82: {  	_ =	shalt  }
0x83: {  	_ =	shalt  }
0x84: {  	_ =	shalt  }
0x85: {  	_ =	shalt  }
0x86: {  	_ =	shalt  }
0x87: {  	_ =	shalt  }
.Lfunc_end0:
.L_simem_size_0:
called_computation_lowered:
.L_overlay_start_0:
0x88: {  	s2 =	sld [smem:$0x3FD9]  }
0x89: {  	s3 =	sld [smem:$0x3FFE];
	_ =	sdelay $0x1  }
0x8a: {  	s1 =	srdreg.scid  }
0x8b: {  	s0 =	sand.u32 $0x1, s1  }
0x8c: {  	s17 =	sshll.u32 s0, $0xA;
	s2 =	sadd.s32 s3, s2  }
0x8d: {  	s2 =	sadd.s32 s2, s17  }
0x8e: {  	[smem:$0x3FC0] =	sst s2  }
0x8f: {  	_ = 	snop  }
0x90: {  	(tm) =	ssettm $0x1  }
0x91: {  	s18 =	sld [smem:$0x3FFB];
	_ =	sdelay $0x3  }
0x92: {  	_ =	strace s18  }
0x93: {  	s2 =	sld [smem:$0x3FFC];
	_ =	sdelay $0x3  }
0x94: {  	_ =	strace s2  }
0x95: {  	s2 =	sld [smem:$0x3FFD];
	_ =	sdelay $0x3  }
0x96: {  	_ =	strace s2  }
0x97: {  	_ =	strace $0x8FFFFFFF  }
0x98: {  	s19 =	sld [smem:$0x3FDB];
	_ =	sdelay $0x1  }
0x99: {  	s20 =	simm.s32 $_scs_section_size  }
0x9a: {  	s4 =	simm.s32 $_size__tile_overlayer_lowered;
	s5 =	simm.s32 $_tile_overlayer_lowered  }
0x9b: {  	s6 =	simm.s32 $0x1BFF;
	s21 =	sshll.u32 s5, $0x1;
	s3 =	sadd.s32 s20, s19  }
0x9c: {  	s22 =	simm.s32 $0x0;
	s4 =	sshll.u32 s4, $0x1;
	s5 =	sadd.s32 s21, s3  }
0x9d: {  	[timem:s22], [sflag:s6] =	dma.local [hbm:s5], s4  }
0x9e: {  	_ =	swait.ge [sflag:s6], s4  }
0x9f: {  	s4 =	ssub.s32 $0x0, s4;
	[sflag:s6] =	ssyncset.done $0x0  }
0xa0: {  	[sflag:s6] =	ssyncadd.s32 s4;
	_ =	sdelay $0x1  }
0xa1: {  	s23 =	simm.s32 $0x1B8B  }
0xa2: {  	_ =	swait.ge [sflag:s23], $0x1  }
0xa3: {  	[sflag:s23] =	ssyncset.done $0x0  }
0xa4: {  	[sflag:s23] =	ssyncadd.s32 $0xFFFFFFFF  }
0xa5: {  	s4 =	sld [smem:$0x0]  }
0xa6: {  	s5 =	sand.u32 $0xFFFFFFFE, s1  }
0xa7: {  	p0 =	sne.s32 s1, s5  }
0xa8: {  	s5 =	sshll.u32 @p0 s5, $0xE  }
0xa9: {  	s5 =	sadd.s32 @p0 $0x11B8D, s5;
	s6 =	sshll.u32 @p0 s4, $0x11  }
0xaa: {  	s5 =	sor.u32 @p0 s6, s5  }
0xab: {  	[sflag:s5] =	ssyncadd.remote.s32 @p0 $0x1;
	_ =	sdelay $0x1  }
0xac: {  	s5 =	simm.s32 @p0 $0x1B8D  }
0xad: {  	_ =	swait.eq @p0 [sflag:s5], $0x1  }
0xae: {  	[sflag:s5] =	ssyncadd.s32 @p0 $0xFFFFFFFF  }
0xaf: {  	s6 =	sshll.u32 @!p0 s1, $0xE  }
0xb0: {  	s6 =	sor.u32 @!p0 $0x4000, s6;
	s5 =	simm.s32 @!p0 $0x1B8D  }
0xb1: {  	s4 =	sshll.u32 @!p0 s4, $0x11;
	s6 =	sadd.s32 @!p0 $0x11B8D, s6;
	_ =	swait.eq @!p0 [sflag:s5], $0x1  }
0xb2: {  	s4 =	sor.u32 @!p0 s4, s6;
	[sflag:s5] =	ssyncadd.s32 @!p0 $0xFFFFFFFF  }
0xb3: {  	s25 =	simm.s32 $0x1B8E;
	s24 =	sld [smem:$0x3FFE];
	[sflag:s4] =	ssyncadd.remote.s32 @!p0 $0x1  }
0xb4: {  	s26 =	simm.s32 $execute0_lowered;
	[smem:$0x3FD2] =	sst s25  }
0xb5: {  	s5 =	sshll.u32 s26, $0x1;
	_ =	strace $0x80000049;
	[dreg:$0x1] =	wrdreg $0xFFFFFFFF  }
0xb6: {  	s28 =	simm.s32 $_size_execute0_lowered;
	s3 =	sadd.s32 s3, s5;
	[dreg:$0x0] =	wrdreg $0x0  }
0xb7: {  	s5 =	sshll.u32 s28, $0x1;
	[dreg:$0x2] =	wrdreg s3  }
0xb8: {  	[dreg:$0x3] =	wrdreg s5  }
0xb9: {  	[dreg:$0x4] =	wrdreg $0xC0  }
0xba: {  	_ =	task [dreg:s22], $0x5FFFF  }
0xbb: {  	[dreg:$0x1] =	wrdreg $0xFFFFFFFF  }
0xbc: {  	[dreg:$0x0] =	wrdreg $0x60  }
0xbd: {  	[dreg:$0x2] =	wrdreg s24  }
0xbe: {  	[dreg:$0x3] =	wrdreg $0x11C100  }
0xbf: {  	[dreg:$0x4] =	wrdreg $0x9  }
0xc0: {  	_ =	task.clear_ibuf [dreg:s22], $0x5FFFF;
	_ =	strace $0x90000049  }
0xc1: {  	s29 =	simm.s32 $0x9;
	_ =	strace $0x8000004B  }
0xc2: {  	_ =	swait.ge [sflag:s29], $0x1  }
0xc3: {  	[sflag:s29] =	ssyncadd.s32 $0xFFFFFFFF  }
0xc4: {  	_ =	strace $0x9000004B  }
0xc5: {  	_ =	sfence  }
0xc6: {  	s30 =	sld [smem:$0x0];
	_ =	sdelay $0x2  }
0xc7: {  	s31 =	sshll.u32 s1, $0xD;
	s1 =	sshrl.u32 s1, $0x2  }
0xc8: {  	s4 =	sand.u32 $0x4000, s31;
	s1 =	sadd.s32 s1, s30  }
0xc9: {  	s0 =	sor.u32 s4, s0;
	s1 =	sshll.u32 s1, $0x11  }
0xca: {  	s0 =	sor.u32 s1, s0  }
0xcb: {  	s0 =	sadd.s32 $0x8F2B, s0  }
0xcc: {  	[sflag:s0] =	ssyncadd.remote.s32 $0x1  }
0xcd: {  	_ =	sfence.sel $0xFFFF  }
0xce: {  	[dreg:$0x0] =	wrdreg $0xFFFFFFFF;
	(pc) =	sbr.abs _section_cstart, $3  }
0xcf: {  	[dreg:$0x1] =	wrdreg $0xFFFFFFFF  }
0xd0: {  	_ =	task.clear_ibuf [dreg:s22], $0x2FFFF;
	_ =	strace $0x9FFFFFFF  }
0xd1: {  	(tm) =	ssettm $0x7FFFFFFF  }
tec
execute0_lowered:
.L_overlay_start_1:
0x0: {  	(tag) =	ssettag $0x1  }
0x1: {  	s5 =	rddreg [dreg:$0x0];
	s0 =	srdreg.scid  }
0x2: {  	s10 =	stileid.u32;
	s1 =	rddreg [dreg:$0x1];
	s2 =	simm.s32 $0x0  }
0x3: {  	s13 =	simm.s32 $0x5;
	s14 =	simm.s32 $0x1400;
	s15 =	simm.s32 $0x400  }
0x4: {  	s16 =	simm.s32 $0x1410;
	s17 =	simm.s32 $0x1C10;
	s18 =	simm.s32 $0x1810  }
0x5: {  	s19 =	simm.s32 $0x9C10;
	s20 =	simm.s32 $0x1;
	s21 =	simm.s32 $0x3  }
0x6: {  	s22 =	simm.s32 $0x2;
	s23 =	simm.s32 $0x4;
	s24 =	simm.s32 $0x0  }
0x7: {  	s4 =	sand.u32 $0x1, s0;
	s3 =	sshll.u32 s10, $0x1;
	s0 =	rddreg [dreg:$0x2]  }
0x8: {  	[smem:$0x7FF] =	sst s2;
	p0 =	sne.s32 s10, $0x0;
	s6 =	sor.u32 s4, s3  }
0x9: {  	_ =	strace $0x8000004A;
	s3 =	sadd.s32 $0x1E00, s5;
	s8 =	ssub.s32 $0x2, s4  }
0xa: {  	s7 =	smul.u32 $0x280, s6;
	s6 =	sshll.u32 s6, $0xC;
	s9 =	sshrl.u32 s8, $0x1  }
0xb: {  	s4 =	sadd.s32 $0xD200, s5;
	s11 =	sadd.s32 s6, s5;
	s12 =	ssub.s32 s8, s9  }
0xc: {  	s7 =	sadd.s32 s7, s5;
	s6 =	sadd.s32 $0xB2400, s11;
	s9 =	sadd.s32 $0x112400, s11  }
0xd: {  	s8 =	sadd.s32 $0xF2400, s11;
	s10 =	sadd.s32 $0x132400, s11;
	s5 =	sadd.s32 $0xAD400, s7  }
0xe: {  	s7 =	sadd.s32 $0xD2400, s11;
	s11 =	smax.u32 s12, $0x1;
	s12 =	sshrl.u32 @!p0 s1, $0x3  }
.LBB2_1:
0xf: {  	s25 =	simm.s32 @!p0 $0x1C05  }
0x10: {  	[spmem:s12], [sflag:s25] =	dma.local @!p0 [hbm:s3], $0x6400  }
0x11: {  	s25 =	simm.s32 @!p0 $0x5  }
0x12: {  	_ =	swait.ge @!p0 [sflag:s25], $0x6400  }
0x13: {  	[sflag:s25] =	ssyncset.done @!p0 $0x0  }
0x14: {  	[sflag:s25] =	ssyncadd.s32 @!p0 $0xFFFF9C00  }
0x15: {  	[tilespmem:s2], [sflag:$0x5] =	stream.linear.gather [hbm4b:s5+s2], $0x1400, $0x38;
	[tilespmem:$0x14E10] =	vst v63  }
0x16: {  	_ =	swait.ge [sflag:s13], $0x1400  }
0x17: {  	[sflag:s13] =	ssyncset.done $0x0  }
0x18: {  	[sflag:s13] =	ssyncadd.s32 $0xFFFFEC00  }
0x19: {  	[tilespmem:s14], [sflag:$0x5] =	stream.linear.gather [hbm4b:s4+s2], $0x10, $0x38;
	[tilespmem:$0x14E10] =	vst v63  }
0x1a: {  	_ =	swait.ge [sflag:s13], $0x10  }
0x1b: {  	[sflag:s13] =	ssyncset.done $0x0  }
0x1c: {  	[sflag:s13] =	ssyncadd.s32 $0xFFFFFFF0  }
0x1d: {  	[bflag:$0x0] =	sbarrier.arrive $0xFFFF  }
0x1e: {  	v0 =	vld [tilespmem:$0x1400]  }
0x1f: {  	s26 =	simm.s32 $0x40;
	s25 =	simm.s32 $0x0  }
.LBB2_2:
0x20: {  	p1 =	sne.s32 s26, $0xFC0;
	_ =	sdelay $0x2  }
0x21: {  	v1 =	vadd.s32 $0x50, v0;
	_ =	sdelay $0x2  }
0x22: {  	v0 =	vld.idx.msk [tilespmem:v0+s2+$0x0], $0xffff;
	_ =	sdelay $0x4  }
.Ltmp0:
0x23: {  	s28 =	sshra.s32 s25, $0x2;
	s25 =	smov.u32 s26;
	(pc) =	sbr.rel @p1 .LBB2_2-.Ltmp0, $4  }
0x24: {  	[tilespmem:s28+$0x1410] =	vst v0  }
0x25: {  	[tilespmem:$0x1400] =	vst v1  }
0x26: {  	v0 =	vld [tilespmem:$0x1400]  }
0x27: {  	s26 =	sadd.s32 $0x40, s26  }
0x28: {  	_ =	sdelay $0x6  }
0x29: {  	v1 =	vld.idx.msk [tilespmem:v0+s2+$0x0], $0xffff;
	_ =	sdelay $0x3  }
0x2a: {  	s25 =	sshra.s32 s25, $0x2  }
0x2b: {  	v2 =	vadd.s32 $0x50, v0;
	[tilespmem:s25+$0x1410] =	vst v1  }
0x2c: {  	v0 =	vadd.s32 $0xFFFFEC54, v0;
	[tilespmem:$0x1400] =	vst v2  }
0x2d: {  	[tilespmem:$0x1400] =	vst v0  }
0x2e: {  	[tilespmem:s17], [sflag:$0x1] =	stream.indirect.gather [spmem:s1], $0x20, s16, s15, $0xb8;
	[tilespmem:$0x14E10] =	vst v63  }
0x2f: {  	v0 =	vld [tilespmem:$0x1400]  }
0x30: {  	s26 =	simm.s32 $0x40;
	s25 =	simm.s32 $0x0  }
.LBB2_4:
0x31: {  	p1 =	sne.s32 s26, $0xFC0;
	_ =	sdelay $0x2  }
0x32: {  	v1 =	vadd.s32 $0x50, v0;
	_ =	sdelay $0x2  }
0x33: {  	v0 =	vld.idx.msk [tilespmem:v0+s2+$0x0], $0xffff;
	_ =	sdelay $0x4  }
.Ltmp1:
0x34: {  	s28 =	sshra.s32 s25, $0x2;
	s25 =	smov.u32 s26;
	(pc) =	sbr.rel @p1 .LBB2_4-.Ltmp1, $4  }
0x35: {  	[tilespmem:s28+$0x1810] =	vst v0  }
0x36: {  	[tilespmem:$0x1400] =	vst v1  }
0x37: {  	v0 =	vld [tilespmem:$0x1400]  }
0x38: {  	s26 =	sadd.s32 $0x40, s26  }
0x39: {  	_ =	sdelay $0x6  }
0x3a: {  	v1 =	vld.idx.msk [tilespmem:v0+s2+$0x0], $0xffff;
	_ =	sdelay $0x3  }
0x3b: {  	s25 =	sshra.s32 s25, $0x2  }
0x3c: {  	v2 =	vadd.s32 $0x50, v0;
	[tilespmem:s25+$0x1810] =	vst v1  }
0x3d: {  	v0 =	vadd.s32 $0xFFFFEC54, v0;
	[tilespmem:$0x1400] =	vst v2  }
0x3e: {  	[tilespmem:$0x1400] =	vst v0  }
0x3f: {  	[tilespmem:s19], [sflag:$0x2] =	stream.indirect.gather [spmem:s1], $0x20, s18, s15, $0xb8;
	[tilespmem:$0x14E10] =	vst v63  }
0x40: {  	_ =	swait.ge [sflag:s20], $0x8000  }
0x41: {  	[sflag:s20] =	ssyncset.done $0x0  }
0x42: {  	s25 =	simm.s32 $0x0;
	[sflag:s20] =	ssyncadd.s32 $0xFFFF8000  }
0x43: {  	[hbm4b:s6+s25] =	stream.linear.scatter [tilespmem:s17], [sflag:$0x3], $0x8000, $0x38;
	[tilespmem:$0x14E10] =	vst v63  }
0x44: {  	v0 =	vld [tilespmem:$0x1400]  }
0x45: {  	s26 =	simm.s32 $0x40  }
.LBB2_6:
0x46: {  	p1 =	sne.s32 s26, $0xFC0;
	_ =	sdelay $0x2  }
0x47: {  	v1 =	vadd.s32 $0x50, v0;
	_ =	sdelay $0x2  }
0x48: {  	v0 =	vld.idx.msk [tilespmem:v0+s2+$0x0], $0xffff;
	_ =	sdelay $0x4  }
.Ltmp2:
0x49: {  	s28 =	sshra.s32 s25, $0x2;
	s25 =	smov.u32 s26;
	(pc) =	sbr.rel @p1 .LBB2_6-.Ltmp2, $4  }
0x4a: {  	[tilespmem:s28+$0x1410] =	vst v0  }
0x4b: {  	[tilespmem:$0x1400] =	vst v1  }
0x4c: {  	v0 =	vld [tilespmem:$0x1400]  }
0x4d: {  	s26 =	sadd.s32 $0x40, s26  }
0x4e: {  	_ =	sdelay $0x6  }
0x4f: {  	v1 =	vld.idx.msk [tilespmem:v0+s2+$0x0], $0xffff;
	_ =	sdelay $0x3  }
0x50: {  	s25 =	sshra.s32 s25, $0x2  }
0x51: {  	v2 =	vadd.s32 $0x50, v0;
	[tilespmem:s25+$0x1410] =	vst v1  }
0x52: {  	v0 =	vadd.s32 $0xFFFFEC54, v0;
	[tilespmem:$0x1400] =	vst v2  }
0x53: {  	[tilespmem:$0x1400] =	vst v0  }
0x54: {  	_ =	swait.ge [sflag:s21], $0x8000  }
0x55: {  	[sflag:s21] =	ssyncset.done $0x0  }
0x56: {  	[sflag:s21] =	ssyncadd.s32 $0xFFFF8000  }
0x57: {  	[tilespmem:s17], [sflag:$0x1] =	stream.indirect.gather [spmem:s1], $0x20, s16, s15, $0xb8;
	[tilespmem:$0x14E10] =	vst v63  }
0x58: {  	_ =	swait.ge [sflag:s22], $0x8000  }
0x59: {  	[sflag:s22] =	ssyncset.done $0x0  }
0x5a: {  	s25 =	simm.s32 $0x0;
	[sflag:s22] =	ssyncadd.s32 $0xFFFF8000  }
0x5b: {  	[hbm4b:s7+s25] =	stream.linear.scatter [tilespmem:s19], [sflag:$0x4], $0x8000, $0x38;
	[tilespmem:$0x14E10] =	vst v63  }
0x5c: {  	v0 =	vld [tilespmem:$0x1400]  }
0x5d: {  	s26 =	simm.s32 $0x40  }
.LBB2_8:
0x5e: {  	p1 =	sne.s32 s26, $0xFC0;
	_ =	sdelay $0x2  }
0x5f: {  	v1 =	vadd.s32 $0x50, v0;
	_ =	sdelay $0x2  }
0x60: {  	v0 =	vld.idx.msk [tilespmem:v0+s2+$0x0], $0xffff;
	_ =	sdelay $0x4  }
.Ltmp3:
0x61: {  	s28 =	sshra.s32 s25, $0x2;
	s25 =	smov.u32 s26;
	(pc) =	sbr.rel @p1 .LBB2_8-.Ltmp3, $4  }
0x62: {  	[tilespmem:s28+$0x1810] =	vst v0  }
0x63: {  	[tilespmem:$0x1400] =	vst v1  }
0x64: {  	v0 =	vld [tilespmem:$0x1400]  }
0x65: {  	s26 =	sadd.s32 $0x40, s26  }
0x66: {  	_ =	sdelay $0x6  }
0x67: {  	v1 =	vld.idx.msk [tilespmem:v0+s2+$0x0], $0xffff;
	_ =	sdelay $0x3  }
0x68: {  	s25 =	sshra.s32 s25, $0x2  }
0x69: {  	v2 =	vadd.s32 $0x50, v0;
	[tilespmem:s25+$0x1810] =	vst v1  }
0x6a: {  	v0 =	vadd.s32 $0xFFFFEC54, v0;
	[tilespmem:$0x1400] =	vst v2  }
0x6b: {  	[tilespmem:$0x1400] =	vst v0  }
0x6c: {  	_ =	swait.ge [sflag:s23], $0x8000  }
0x6d: {  	[sflag:s23] =	ssyncset.done $0x0  }
0x6e: {  	[sflag:s23] =	ssyncadd.s32 $0xFFFF8000  }
0x6f: {  	[tilespmem:s19], [sflag:$0x2] =	stream.indirect.gather [spmem:s1], $0x20, s18, s15, $0xb8;
	[tilespmem:$0x14E10] =	vst v63  }
0x70: {  	_ =	swait.ge [sflag:s20], $0x8000  }
0x71: {  	[sflag:s20] =	ssyncset.done $0x0  }
0x72: {  	s25 =	simm.s32 $0x0;
	[sflag:s20] =	ssyncadd.s32 $0xFFFF8000  }
0x73: {  	[hbm4b:s8+s25] =	stream.linear.scatter [tilespmem:s17], [sflag:$0x3], $0x8000, $0x38;
	[tilespmem:$0x14E10] =	vst v63  }
0x74: {  	v0 =	vld [tilespmem:$0x1400]  }
0x75: {  	s26 =	simm.s32 $0x40  }
.LBB2_10:
0x76: {  	p1 =	sne.s32 s26, $0xFC0;
	_ =	sdelay $0x2  }
0x77: {  	v1 =	vadd.s32 $0x50, v0;
	_ =	sdelay $0x2  }
0x78: {  	v0 =	vld.idx.msk [tilespmem:v0+s2+$0x0], $0xffff;
	_ =	sdelay $0x4  }
.Ltmp4:
0x79: {  	s28 =	sshra.s32 s25, $0x2;
	s25 =	smov.u32 s26;
	(pc) =	sbr.rel @p1 .LBB2_10-.Ltmp4, $4  }
0x7a: {  	[tilespmem:s28+$0x1410] =	vst v0  }
0x7b: {  	[tilespmem:$0x1400] =	vst v1  }
0x7c: {  	v0 =	vld [tilespmem:$0x1400]  }
0x7d: {  	s26 =	sadd.s32 $0x40, s26  }
0x7e: {  	_ =	sdelay $0x6  }
0x7f: {  	v1 =	vld.idx.msk [tilespmem:v0+s2+$0x0], $0xffff;
	_ =	sdelay $0x3  }
0x80: {  	s25 =	sshra.s32 s25, $0x2  }
0x81: {  	v2 =	vadd.s32 $0x50, v0;
	[tilespmem:s25+$0x1410] =	vst v1  }
0x82: {  	v63 =	vadd.s32 $0xFFFFEC54, v0;
	[tilespmem:$0x1400] =	vst v2  }
0x83: {  	[tilespmem:$0x1400] =	vst v63  }
0x84: {  	_ =	swait.ge [sflag:s21], $0x8000  }
0x85: {  	[sflag:s21] =	ssyncset.done $0x0  }
0x86: {  	[sflag:s21] =	ssyncadd.s32 $0xFFFF8000  }
0x87: {  	[tilespmem:s17], [sflag:$0x1] =	stream.indirect.gather [spmem:s1], $0x20, s16, s15, $0xb8;
	[tilespmem:$0x14E10] =	vst v63  }
0x88: {  	_ =	swait.ge [sflag:s22], $0x8000  }
0x89: {  	[sflag:s22] =	ssyncset.done $0x0  }
0x8a: {  	[sflag:s22] =	ssyncadd.s32 $0xFFFF8000  }
0x8b: {  	[hbm4b:s9+s2] =	stream.linear.scatter [tilespmem:s19], [sflag:$0x4], $0x8000, $0x38;
	[tilespmem:$0x14E10] =	vst v63  }
0x8c: {  	_ =	swait.ge [sflag:s20], $0x8000  }
0x8d: {  	[sflag:s20] =	ssyncset.done $0x0  }
0x8e: {  	s24 =	sadd.s32 $0x1, s24;
	[sflag:s20] =	ssyncadd.s32 $0xFFFF8000  }
0x8f: {  	[hbm4b:s10+s2] =	stream.linear.scatter [tilespmem:s17], [sflag:$0x3], $0x8000, $0x38;
	[tilespmem:$0x14E10] =	vst v63  }
0x90: {  	p1 =	sne.s32 s24, s11;
	_ =	swait.ge [sflag:s23], $0x8000  }
.Ltmp5:
0x91: {  	[sflag:s23] =	ssyncset.done $0x0;
	(pc) =	sbr.rel @p1 .LBB2_1-.Ltmp5, $4  }
0x92: {  	[sflag:s23] =	ssyncadd.s32 $0xFFFF8000  }
0x93: {  	_ =	swait.ge [sflag:s21], $0x8000  }
0x94: {  	[sflag:s21] =	ssyncset.done $0x0  }
0x95: {  	[sflag:s21] =	ssyncadd.s32 $0xFFFF8000  }
0x96: {  	_ =	sfence.sel $0x180000  }
0x97: {  	[bflag:$0x0] =	sbarrier.arrive $0xFFFF  }
0x98: {  	_ =	strace $0x9000004A  }
0x99: {  	s0 =	sadd.s32 @!p0 $0x100000, s0;
	[bflag:$0x2] =	sbarrier.arrive $0xFFFF  }
0x9a: {  	[sflag:s0] =	ssyncadd.tile.s32 @!p0 $0x1;
	_ =	shalt  }
.Lfunc_end2:
_tile_overlayer_lowered:
.L_overlay_start_2:
0x9b: {  	(tag) =	ssettag $0x2  }
0x9c: {  	s0 =	rddreg [dreg:$0x0];
	s2 =	stileid.u32  }
0x9d: {  	s1 =	rddreg [dreg:$0x1];
	p0 =	sne.s32 s2, $0x0  }
0x9e: {  	s3 =	rddreg [dreg:$0x2];
	[bflag:$0x3] =	sbarrier.arrive $0xFFFF;
	s2 =	simm.s32 @!p0 $0x1C05  }
0x9f: {  	[timem:s3], [sflag:s2] =	dma.local @!p0 [hbm:s0], s1  }
0xa0: {  	s0 =	simm.s32 @!p0 $0x5  }
0xa1: {  	_ =	swait.ge @!p0 [sflag:s0], s1  }
0xa2: {  	s1 =	ssub.s32 @!p0 $0x0, s1;
	[sflag:s0] =	ssyncset.done @!p0 $0x0  }
0xa3: {  	[sflag:s0] =	ssyncadd.s32 @!p0 s1  }
0xa4: {  	[bflag:$0x3] =	sbarrier.arrive $0xFFFF  }
0xa5: {  	_ =	shalt  }

// kernel: kernel.9.cloned.1.call-start
scs
__scs_entry_jumppad:
0x0: {  	(pc) =	sbr.rel $0x88, $3  }
0x1: {  	(tag) =	ssettag $0x0;
	lr =	simm.s32 $0x1  }
0x2: {  	[smem:$0x3F99] =	sst lr;
	_ =	strace $0xD0000000  }
0x3: {  	_ = 	snop  }
0x4: {  	_ = 	snop  }
0x5: {  	_ = 	snop  }
0x6: {  	_ = 	snop  }
0x7: {  	_ = 	snop  }
__scs_overlays_trampoline_lowered:
0x8: {  	[smem:$0x3FA8] =	sst s0  }
0x9: {  	[smem:$0x3FA9] =	sst s1  }
0xa: {  	[smem:$0x3FAA] =	sst s2  }
0xb: {  	[smem:$0x3FAB] =	sst s3  }
0xc: {  	[smem:$0x3FAC] =	sst s4  }
0xd: {  	[smem:$0x3FAD] =	sst s5  }
0xe: {  	[smem:$0x3FAE] =	sst s6  }
0xf: {  	[smem:$0x3FAF] =	sst s7  }
0x10: {  	[smem:$0x3FB0] =	sst s8  }
0x11: {  	[smem:$0x3FB1] =	sst s9;
	s0 =	simm.s32 @!p0 $0x0  }
0x12: {  	s1 =	sld [smem:$0x3F97];
	s0 =	simm.s32 @p0 $0x1  }
0x13: {  	[smem:$0x3FB2] =	sst s0;
	s0 =	simm.s32 @!p1 $0x0  }
0x14: {  	s2 =	sld [smem:$0x3F96];
	s0 =	simm.s32 @p1 $0x1  }
0x15: {  	[smem:$0x3FB3] =	sst s0;
	s0 =	simm.s32 @!p2 $0x0  }
0x16: {  	s3 =	sld [smem:$0x3FDB];
	s0 =	simm.s32 @p2 $0x1  }
0x17: {  	s4 =	simm.s32 $0x1BF5;
	[smem:$0x3FB5] =	sst s0  }
0x18: {  	s0 =	sld [smem:$0x3F98];
	_ =	swait.ge [sflag:s4], $0x0  }
0x19: {  	s7 =	sld [smem:$0x3F99]  }
0x1a: {  	s8 =	sadd.s32 $0xFFFFE003, lr  }
0x1b: {  	s9 =	sadd.s32 $0xFFFFFEF7, lr;
	s5 =	simm.s32 $0xFFFFFFFF;
	p2 =	slt.u32 s8, $0xFFFFF086  }
0x1c: {  	p1 =	slt.u32 s9, $0xF7A;
	s5 =	simm.s32 @!p2 $0x0  }
0x1d: {  	s5 =	simm.s32 @p1 $0x1;
	p0 =	seq.s32 s7, s2  }
0x1e: {  	s7 =	smul.u32 @!p0 $0xF7A, s2;
	p2 =	seq.s32 @!p0 s5, $0x0  }
0x1f: {  	s9 =	smul.u32 $0xF7A, s1;
	s8 =	simm.s32 @!p0 $0x1BF5;
	p2 =	por !p2, p0  }
0x20: {  	[sflag:s8] =	ssyncset.s32 @!p0 $0xFFFFF086;
	s6 =	sadd.s32 @!p0 s3, s7;
	s7 =	simm.s32 @!p0 $0x108  }
0x21: {  	s3 =	sadd.s32 s3, s9;
	s6 =	sadd.s32 @!p0 $0x88, s6;
	s7 =	simm.s32 @p2 $0x1082  }
0x22: {  	[simem:s7], [sflag:s8] =	dma.local @!p0 [hbm:s6], $0xF7A  }
0x23: {  	s9 =	sor.u32 $0xD0000000, s2;
	s6 =	simm.s32 $0x108;
	_ =	swait.ge @!p0 [sflag:s8], $0x0  }
0x24: {  	s3 =	sadd.s32 $0x88, s3;
	s6 =	simm.s32 @!p1 $0x1082;
	[sflag:s4] =	ssyncset.s32 $0xFFFFF086  }
0x25: {  	[simem:s6], [sflag:s4] =	dma.local [hbm:s3], $0xF7A  }
0x26: {  	[smem:$0x3F99] =	sst s1;
	(tag) =	ssettag s2;
	_ =	strace s9  }
0x27: {  	s1 =	sld [smem:$0x3FA9]  }
0x28: {  	s2 =	sld [smem:$0x3FAA]  }
0x29: {  	s4 =	sld [smem:$0x3FAC]  }
0x2a: {  	p0 =	seq.s32 s5, $0x0;
	s5 =	sld [smem:$0x3FAD]  }
0x2b: {  	s6 =	sld [smem:$0x3FAE]  }
0x2c: {  	s7 =	sld [smem:$0x3FAF]  }
0x2d: {  	s3 =	simm.s32 $0x108;
	s8 =	sld [smem:$0x3FB0]  }
0x2e: {  	s3 =	simm.s32 @!p0 $0x1082;
	s9 =	sld [smem:$0x3FB1]  }
0x2f: {  	lr =	sadd.s32 s0, s3;
	s0 =	sld [smem:$0x3FA8]  }
0x30: {  	s3 =	sld [smem:$0x3FAB]  }
0x31: {  	[smem:$0x3FB4] =	sst s10  }
0x32: {  	s10 =	sld [smem:$0x3FB2];
	_ =	sdelay $0x3  }
0x33: {  	p0 =	seq.s32 s10, $0x1;
	s10 =	sld [smem:$0x3FB4];
	_ =	sdelay $0x3  }
0x34: {  	[smem:$0x3FB4] =	sst s10  }
0x35: {  	s10 =	sld [smem:$0x3FB3];
	_ =	sdelay $0x3  }
0x36: {  	p1 =	seq.s32 s10, $0x1;
	s10 =	sld [smem:$0x3FB4];
	_ =	sdelay $0x3  }
0x37: {  	[smem:$0x3FB4] =	sst s10  }
0x38: {  	s10 =	sld [smem:$0x3FB5]  }
0x39: {  	_ = 	snop;
	(pc) =	sbr.ind lr, $3  }
0x3a: {  	_ = 	snop  }
0x3b: {  	_ = 	snop  }
0x3c: {  	p2 =	seq.s32 s10, $0x1;
	s10 =	sld [smem:$0x3FB4]  }
0x3d: {  	_ =	shalt  }
0x3e: {  	_ =	shalt  }
0x3f: {  	_ =	shalt  }
0x40: {  	_ =	shalt  }
0x41: {  	_ =	shalt  }
0x42: {  	_ =	shalt  }
0x43: {  	_ =	shalt  }
0x44: {  	_ =	shalt  }
0x45: {  	_ =	shalt  }
0x46: {  	_ =	shalt  }
0x47: {  	_ =	shalt  }
0x48: {  	_ =	shalt  }
0x49: {  	_ =	shalt  }
0x4a: {  	_ =	shalt  }
0x4b: {  	_ =	shalt  }
0x4c: {  	_ =	shalt  }
0x4d: {  	_ =	shalt  }
0x4e: {  	_ =	shalt  }
0x4f: {  	_ =	shalt  }
0x50: {  	_ =	shalt  }
0x51: {  	_ =	shalt  }
0x52: {  	_ =	shalt  }
0x53: {  	_ =	shalt  }
0x54: {  	_ =	shalt  }
0x55: {  	_ =	shalt  }
0x56: {  	_ =	shalt  }
0x57: {  	_ =	shalt  }
0x58: {  	_ =	shalt  }
0x59: {  	_ =	shalt  }
0x5a: {  	_ =	shalt  }
0x5b: {  	_ =	shalt  }
0x5c: {  	_ =	shalt  }
0x5d: {  	_ =	shalt  }
0x5e: {  	_ =	shalt  }
0x5f: {  	_ =	shalt  }
0x60: {  	_ =	shalt  }
0x61: {  	_ =	shalt  }
0x62: {  	_ =	shalt  }
0x63: {  	_ =	shalt  }
0x64: {  	_ =	shalt  }
0x65: {  	_ =	shalt  }
0x66: {  	_ =	shalt  }
0x67: {  	_ =	shalt  }
0x68: {  	_ =	shalt  }
0x69: {  	_ =	shalt  }
0x6a: {  	_ =	shalt  }
0x6b: {  	_ =	shalt  }
0x6c: {  	_ =	shalt  }
0x6d: {  	_ =	shalt  }
0x6e: {  	_ =	shalt  }
0x6f: {  	_ =	shalt  }
0x70: {  	_ =	shalt  }
0x71: {  	_ =	shalt  }
0x72: {  	_ =	shalt  }
0x73: {  	_ =	shalt  }
0x74: {  	_ =	shalt  }
0x75: {  	_ =	shalt  }
0x76: {  	_ =	shalt  }
0x77: {  	_ =	shalt  }
0x78: {  	_ =	shalt  }
0x79: {  	_ =	shalt  }
0x7a: {  	_ =	shalt  }
0x7b: {  	_ =	shalt  }
0x7c: {  	_ =	shalt  }
0x7d: {  	_ =	shalt  }
0x7e: {  	_ =	shalt  }
0x7f: {  	_ =	shalt  }
0x80: {  	_ =	shalt  }
0x81: {  	_ =	shalt  }
0x82: {  	_ =	shalt  }
0x83: {  	_ =	shalt  }
0x84: {  	_ =	shalt  }
0x85: {  	_ =	shalt  }
0x86: {  	_ =	shalt  }
0x87: {  	_ =	shalt  }
.Lfunc_end0:
.L_simem_size_0:
called_computation.1_lowered:
.L_overlay_start_0:
0x88: {  	s2 =	sld [smem:$0x3FD9]  }
0x89: {  	s3 =	sld [smem:$0x3FFE];
	_ =	sdelay $0x1  }
0x8a: {  	s1 =	srdreg.scid  }
0x8b: {  	s0 =	sand.u32 $0x1, s1  }
0x8c: {  	s17 =	sshll.u32 s0, $0xA;
	s2 =	sadd.s32 s3, s2  }
0x8d: {  	s2 =	sadd.s32 s2, s17  }
0x8e: {  	[smem:$0x3FC0] =	sst s2  }
0x8f: {  	_ = 	snop  }
0x90: {  	s2 =	sld [smem:$0x3FD0];
	(tm) =	ssettm $0x1  }
0x91: {  	s18 =	sld [smem:$0x3FFB];
	_ =	sdelay $0x3  }
0x92: {  	_ =	strace s18  }
0x93: {  	s3 =	sld [smem:$0x3FFC];
	_ =	sdelay $0x3  }
0x94: {  	_ =	strace s3  }
0x95: {  	s3 =	sld [smem:$0x3FFD];
	_ =	sdelay $0x3  }
0x96: {  	_ =	strace s3  }
0x97: {  	_ =	strace $0x8FFFFFFF  }
0x98: {  	s19 =	sld [smem:$0x3FDB];
	_ =	sdelay $0x1  }
0x99: {  	s4 =	simm.s32 $_scs_section_size  }
0x9a: {  	s5 =	simm.s32 $_size__tile_overlayer_lowered;
	s6 =	simm.s32 $_tile_overlayer_lowered  }
0x9b: {  	s22 =	simm.s32 $0x1BFF;
	s21 =	sshll.u32 s6, $0x1;
	s3 =	sadd.s32 s4, s19  }
0x9c: {  	s7 =	simm.s32 $0x0;
	s20 =	sshll.u32 s5, $0x1;
	s5 =	sadd.s32 s21, s3  }
0x9d: {  	[timem:s7], [sflag:s22] =	dma.local [hbm:s5], s20  }
0x9e: {  	_ =	swait.ge [sflag:s22], s20  }
0x9f: {  	s4 =	ssub.s32 $0x0, s20;
	[sflag:s22] =	ssyncset.done $0x0  }
0xa0: {  	[sflag:s22] =	ssyncadd.s32 s4;
	_ =	sdelay $0x1  }
0xa1: {  	s23 =	simm.s32 $0x1B8B  }
0xa2: {  	_ =	swait.ge [sflag:s23], $0x1  }
0xa3: {  	[sflag:s23] =	ssyncset.done $0x0  }
0xa4: {  	s25 =	simm.s32 $0x1B8E;
	s24 =	sld [smem:$0x3FFE];
	[sflag:s23] =	ssyncadd.s32 $0xFFFFFFFF  }
0xa5: {  	s26 =	simm.s32 $execute0_lowered;
	[smem:$0x3FD2] =	sst s25  }
0xa6: {  	s5 =	sshll.u32 s26, $0x1;
	_ =	strace $0x80000046;
	[dreg:$0x1] =	wrdreg $0xFFFFFFFF  }
0xa7: {  	s28 =	simm.s32 $_size_execute0_lowered;
	s3 =	sadd.s32 s3, s5;
	[dreg:$0x0] =	wrdreg $0x0  }
0xa8: {  	s5 =	sshll.u32 s28, $0x1;
	[dreg:$0x2] =	wrdreg s3  }
0xa9: {  	[dreg:$0x3] =	wrdreg s5  }
0xaa: {  	[dreg:$0x4] =	wrdreg $0xC0  }
0xab: {  	_ =	task [dreg:s7], $0x5FFFF  }
0xac: {  	[dreg:$0x1] =	wrdreg $0xFFFFFFFF  }
0xad: {  	[dreg:$0x0] =	wrdreg $0x60  }
0xae: {  	[dreg:$0x2] =	wrdreg s24  }
0xaf: {  	[dreg:$0x3] =	wrdreg s2  }
0xb0: {  	[dreg:$0x4] =	wrdreg $0x11C100  }
0xb1: {  	[dreg:$0x5] =	wrdreg $0xA  }
0xb2: {  	_ =	task.clear_ibuf [dreg:s7], $0x6FFFF;
	_ =	strace $0x90000046  }
0xb3: {  	s29 =	simm.s32 $0xA;
	_ =	strace $0x80000048  }
0xb4: {  	_ =	swait.ge [sflag:s29], $0x1  }
0xb5: {  	[sflag:s29] =	ssyncadd.s32 $0xFFFFFFFF  }
0xb6: {  	_ =	strace $0x90000048  }
0xb7: {  	_ =	sfence  }
0xb8: {  	s30 =	sld [smem:$0x0];
	_ =	sdelay $0x2  }
0xb9: {  	s31 =	sshll.u32 s1, $0xD;
	s1 =	sshrl.u32 s1, $0x2  }
0xba: {  	s3 =	sand.u32 $0x4000, s31;
	s1 =	sadd.s32 s1, s30  }
0xbb: {  	s0 =	sor.u32 s3, s0;
	s1 =	sshll.u32 s1, $0x11  }
0xbc: {  	s0 =	sor.u32 s1, s0  }
0xbd: {  	s0 =	sadd.s32 $0x8F2B, s0  }
0xbe: {  	[sflag:s0] =	ssyncadd.remote.s32 $0x1  }
0xbf: {  	_ =	sfence.sel $0xFFFF  }
0xc0: {  	[dreg:$0x0] =	wrdreg $0xFFFFFFFF;
	(pc) =	sbr.abs _section_cstart, $3  }
0xc1: {  	[dreg:$0x1] =	wrdreg $0xFFFFFFFF  }
0xc2: {  	_ =	task.clear_ibuf [dreg:s7], $0x2FFFF;
	_ =	strace $0x9FFFFFFF  }
0xc3: {  	(tm) =	ssettm $0x7FFFFFFF  }
tec
execute0_lowered:
.L_overlay_start_1:
0x0: {  	(tag) =	ssettag $0x1  }
0x1: {  	s5 =	rddreg [dreg:$0x0]  }
0x2: {  	s1 =	rddreg [dreg:$0x1]  }
0x3: {  	s2 =	rddreg [dreg:$0x2]  }
0x4: {  	s0 =	rddreg [dreg:$0x3];
	s4 =	srdreg.scid  }
0x5: {  	s10 =	stileid.u32;
	s3 =	simm.s32 $0x0;
	s13 =	simm.s32 $0x5  }
0x6: {  	s14 =	simm.s32 $0x1400;
	s15 =	simm.s32 $0x400;
	s16 =	simm.s32 $0x1410  }
0x7: {  	s17 =	simm.s32 $0x1C10;
	s18 =	simm.s32 $0x1810;
	s19 =	simm.s32 $0x9C10  }
0x8: {  	s20 =	simm.s32 $0x1;
	s21 =	simm.s32 $0x3;
	s22 =	simm.s32 $0x2  }
0x9: {  	s23 =	simm.s32 $0x4;
	s24 =	simm.s32 $0x0;
	s4 =	sand.u32 $0x1, s4  }
0xa: {  	s6 =	sshll.u32 s10, $0x1;
	[smem:$0x7FF] =	sst s3;
	p0 =	sne.s32 s10, $0x0  }
0xb: {  	s6 =	sor.u32 s4, s6;
	_ =	strace $0x80000047;
	s8 =	ssub.s32 $0x2, s4  }
0xc: {  	s7 =	smul.u32 $0x280, s6;
	s6 =	sshll.u32 s6, $0xC;
	s9 =	sshrl.u32 s8, $0x1  }
0xd: {  	s4 =	sadd.s32 $0x1E00, s5;
	s11 =	sadd.s32 s6, s5;
	s12 =	ssub.s32 s8, s9  }
0xe: {  	s7 =	sadd.s32 s7, s5;
	s6 =	sadd.s32 $0xD400, s11;
	s8 =	sadd.s32 $0x4D400, s11  }
0xf: {  	s9 =	sadd.s32 $0x6D400, s11;
	s10 =	sadd.s32 $0x8D400, s11;
	s5 =	sadd.s32 $0x8200, s7  }
0x10: {  	s7 =	sadd.s32 $0x2D400, s11;
	s11 =	smax.u32 s12, $0x1;
	s12 =	sshrl.u32 @!p0 s2, $0x3  }
.LBB2_1:
0x11: {  	s25 =	simm.s32 @!p0 $0x1C05  }
0x12: {  	[spmem:s12], [sflag:s25] =	dma.local @!p0 [hbm:s4], $0x6400  }
0x13: {  	s25 =	simm.s32 @!p0 $0x5  }
0x14: {  	_ =	swait.ge @!p0 [sflag:s25], $0x6400  }
0x15: {  	[sflag:s25] =	ssyncset.done @!p0 $0x0  }
0x16: {  	[sflag:s25] =	ssyncadd.s32 @!p0 $0xFFFF9C00  }
0x17: {  	[tilespmem:s3], [sflag:$0x5] =	stream.linear.gather [hbm4b:s5+s3], $0x1400, $0x38;
	[tilespmem:$0x14E10] =	vst v63  }
0x18: {  	_ =	swait.ge [sflag:s13], $0x1400  }
0x19: {  	[sflag:s13] =	ssyncset.done $0x0  }
0x1a: {  	[sflag:s13] =	ssyncadd.s32 $0xFFFFEC00  }
0x1b: {  	[tilespmem:s14], [sflag:$0x5] =	stream.linear.gather [hbm4b:s1+s3], $0x10, $0x38;
	[tilespmem:$0x14E10] =	vst v63  }
0x1c: {  	_ =	swait.ge [sflag:s13], $0x10  }
0x1d: {  	[sflag:s13] =	ssyncset.done $0x0  }
0x1e: {  	[sflag:s13] =	ssyncadd.s32 $0xFFFFFFF0  }
0x1f: {  	[bflag:$0x0] =	sbarrier.arrive $0xFFFF  }
0x20: {  	v0 =	vld [tilespmem:$0x1400]  }
0x21: {  	s26 =	simm.s32 $0x40;
	s25 =	simm.s32 $0x0  }
.LBB2_2:
0x22: {  	p1 =	sne.s32 s26, $0xFC0;
	_ =	sdelay $0x2  }
0x23: {  	v1 =	vadd.s32 $0x50, v0;
	_ =	sdelay $0x2  }
0x24: {  	v0 =	vld.idx.msk [tilespmem:v0+s3+$0x0], $0xffff;
	_ =	sdelay $0x4  }
.Ltmp0:
0x25: {  	s28 =	sshra.s32 s25, $0x2;
	s25 =	smov.u32 s26;
	(pc) =	sbr.rel @p1 .LBB2_2-.Ltmp0, $4  }
0x26: {  	[tilespmem:s28+$0x1410] =	vst v0  }
0x27: {  	[tilespmem:$0x1400] =	vst v1  }
0x28: {  	v0 =	vld [tilespmem:$0x1400]  }
0x29: {  	s26 =	sadd.s32 $0x40, s26  }
0x2a: {  	_ =	sdelay $0x6  }
0x2b: {  	v1 =	vld.idx.msk [tilespmem:v0+s3+$0x0], $0xffff;
	_ =	sdelay $0x3  }
0x2c: {  	s25 =	sshra.s32 s25, $0x2  }
0x2d: {  	v2 =	vadd.s32 $0x50, v0;
	[tilespmem:s25+$0x1410] =	vst v1  }
0x2e: {  	v0 =	vadd.s32 $0xFFFFEC54, v0;
	[tilespmem:$0x1400] =	vst v2  }
0x2f: {  	[tilespmem:$0x1400] =	vst v0  }
0x30: {  	[tilespmem:s17], [sflag:$0x1] =	stream.indirect.gather [spmem:s2], $0x20, s16, s15, $0xb8;
	[tilespmem:$0x14E10] =	vst v63  }
0x31: {  	v0 =	vld [tilespmem:$0x1400]  }
0x32: {  	s26 =	simm.s32 $0x40;
	s25 =	simm.s32 $0x0  }
.LBB2_4:
0x33: {  	p1 =	sne.s32 s26, $0xFC0;
	_ =	sdelay $0x2  }
0x34: {  	v1 =	vadd.s32 $0x50, v0;
	_ =	sdelay $0x2  }
0x35: {  	v0 =	vld.idx.msk [tilespmem:v0+s3+$0x0], $0xffff;
	_ =	sdelay $0x4  }
.Ltmp1:
0x36: {  	s28 =	sshra.s32 s25, $0x2;
	s25 =	smov.u32 s26;
	(pc) =	sbr.rel @p1 .LBB2_4-.Ltmp1, $4  }
0x37: {  	[tilespmem:s28+$0x1810] =	vst v0  }
0x38: {  	[tilespmem:$0x1400] =	vst v1  }
0x39: {  	v0 =	vld [tilespmem:$0x1400]  }
0x3a: {  	s26 =	sadd.s32 $0x40, s26  }
0x3b: {  	_ =	sdelay $0x6  }
0x3c: {  	v1 =	vld.idx.msk [tilespmem:v0+s3+$0x0], $0xffff;
	_ =	sdelay $0x3  }
0x3d: {  	s25 =	sshra.s32 s25, $0x2  }
0x3e: {  	v2 =	vadd.s32 $0x50, v0;
	[tilespmem:s25+$0x1810] =	vst v1  }
0x3f: {  	v0 =	vadd.s32 $0xFFFFEC54, v0;
	[tilespmem:$0x1400] =	vst v2  }
0x40: {  	[tilespmem:$0x1400] =	vst v0  }
0x41: {  	[tilespmem:s19], [sflag:$0x2] =	stream.indirect.gather [spmem:s2], $0x20, s18, s15, $0xb8;
	[tilespmem:$0x14E10] =	vst v63  }
0x42: {  	_ =	swait.ge [sflag:s20], $0x8000  }
0x43: {  	[sflag:s20] =	ssyncset.done $0x0  }
0x44: {  	s25 =	simm.s32 $0x0;
	[sflag:s20] =	ssyncadd.s32 $0xFFFF8000  }
0x45: {  	[hbm4b:s6+s25] =	stream.linear.scatter [tilespmem:s17], [sflag:$0x3], $0x8000, $0x38;
	[tilespmem:$0x14E10] =	vst v63  }
0x46: {  	v0 =	vld [tilespmem:$0x1400]  }
0x47: {  	s26 =	simm.s32 $0x40  }
.LBB2_6:
0x48: {  	p1 =	sne.s32 s26, $0xFC0;
	_ =	sdelay $0x2  }
0x49: {  	v1 =	vadd.s32 $0x50, v0;
	_ =	sdelay $0x2  }
0x4a: {  	v0 =	vld.idx.msk [tilespmem:v0+s3+$0x0], $0xffff;
	_ =	sdelay $0x4  }
.Ltmp2:
0x4b: {  	s28 =	sshra.s32 s25, $0x2;
	s25 =	smov.u32 s26;
	(pc) =	sbr.rel @p1 .LBB2_6-.Ltmp2, $4  }
0x4c: {  	[tilespmem:s28+$0x1410] =	vst v0  }
0x4d: {  	[tilespmem:$0x1400] =	vst v1  }
0x4e: {  	v0 =	vld [tilespmem:$0x1400]  }
0x4f: {  	s26 =	sadd.s32 $0x40, s26  }
0x50: {  	_ =	sdelay $0x6  }
0x51: {  	v1 =	vld.idx.msk [tilespmem:v0+s3+$0x0], $0xffff;
	_ =	sdelay $0x3  }
0x52: {  	s25 =	sshra.s32 s25, $0x2  }
0x53: {  	v2 =	vadd.s32 $0x50, v0;
	[tilespmem:s25+$0x1410] =	vst v1  }
0x54: {  	v0 =	vadd.s32 $0xFFFFEC54, v0;
	[tilespmem:$0x1400] =	vst v2  }
0x55: {  	[tilespmem:$0x1400] =	vst v0  }
0x56: {  	_ =	swait.ge [sflag:s21], $0x8000  }
0x57: {  	[sflag:s21] =	ssyncset.done $0x0  }
0x58: {  	[sflag:s21] =	ssyncadd.s32 $0xFFFF8000  }
0x59: {  	[tilespmem:s17], [sflag:$0x1] =	stream.indirect.gather [spmem:s2], $0x20, s16, s15, $0xb8;
	[tilespmem:$0x14E10] =	vst v63  }
0x5a: {  	_ =	swait.ge [sflag:s22], $0x8000  }
0x5b: {  	[sflag:s22] =	ssyncset.done $0x0  }
0x5c: {  	s25 =	simm.s32 $0x0;
	[sflag:s22] =	ssyncadd.s32 $0xFFFF8000  }
0x5d: {  	[hbm4b:s7+s25] =	stream.linear.scatter [tilespmem:s19], [sflag:$0x4], $0x8000, $0x38;
	[tilespmem:$0x14E10] =	vst v63  }
0x5e: {  	v0 =	vld [tilespmem:$0x1400]  }
0x5f: {  	s26 =	simm.s32 $0x40  }
.LBB2_8:
0x60: {  	p1 =	sne.s32 s26, $0xFC0;
	_ =	sdelay $0x2  }
0x61: {  	v1 =	vadd.s32 $0x50, v0;
	_ =	sdelay $0x2  }
0x62: {  	v0 =	vld.idx.msk [tilespmem:v0+s3+$0x0], $0xffff;
	_ =	sdelay $0x4  }
.Ltmp3:
0x63: {  	s28 =	sshra.s32 s25, $0x2;
	s25 =	smov.u32 s26;
	(pc) =	sbr.rel @p1 .LBB2_8-.Ltmp3, $4  }
0x64: {  	[tilespmem:s28+$0x1810] =	vst v0  }
0x65: {  	[tilespmem:$0x1400] =	vst v1  }
0x66: {  	v0 =	vld [tilespmem:$0x1400]  }
0x67: {  	s26 =	sadd.s32 $0x40, s26  }
0x68: {  	_ =	sdelay $0x6  }
0x69: {  	v1 =	vld.idx.msk [tilespmem:v0+s3+$0x0], $0xffff;
	_ =	sdelay $0x3  }
0x6a: {  	s25 =	sshra.s32 s25, $0x2  }
0x6b: {  	v2 =	vadd.s32 $0x50, v0;
	[tilespmem:s25+$0x1810] =	vst v1  }
0x6c: {  	v0 =	vadd.s32 $0xFFFFEC54, v0;
	[tilespmem:$0x1400] =	vst v2  }
0x6d: {  	[tilespmem:$0x1400] =	vst v0  }
0x6e: {  	_ =	swait.ge [sflag:s23], $0x8000  }
0x6f: {  	[sflag:s23] =	ssyncset.done $0x0  }
0x70: {  	[sflag:s23] =	ssyncadd.s32 $0xFFFF8000  }
0x71: {  	[tilespmem:s19], [sflag:$0x2] =	stream.indirect.gather [spmem:s2], $0x20, s18, s15, $0xb8;
	[tilespmem:$0x14E10] =	vst v63  }
0x72: {  	_ =	swait.ge [sflag:s20], $0x8000  }
0x73: {  	[sflag:s20] =	ssyncset.done $0x0  }
0x74: {  	s25 =	simm.s32 $0x0;
	[sflag:s20] =	ssyncadd.s32 $0xFFFF8000  }
0x75: {  	[hbm4b:s8+s25] =	stream.linear.scatter [tilespmem:s17], [sflag:$0x3], $0x8000, $0x38;
	[tilespmem:$0x14E10] =	vst v63  }
0x76: {  	v0 =	vld [tilespmem:$0x1400]  }
0x77: {  	s26 =	simm.s32 $0x40  }
.LBB2_10:
0x78: {  	p1 =	sne.s32 s26, $0xFC0;
	_ =	sdelay $0x2  }
0x79: {  	v1 =	vadd.s32 $0x50, v0;
	_ =	sdelay $0x2  }
0x7a: {  	v0 =	vld.idx.msk [tilespmem:v0+s3+$0x0], $0xffff;
	_ =	sdelay $0x4  }
.Ltmp4:
0x7b: {  	s28 =	sshra.s32 s25, $0x2;
	s25 =	smov.u32 s26;
	(pc) =	sbr.rel @p1 .LBB2_10-.Ltmp4, $4  }
0x7c: {  	[tilespmem:s28+$0x1410] =	vst v0  }
0x7d: {  	[tilespmem:$0x1400] =	vst v1  }
0x7e: {  	v0 =	vld [tilespmem:$0x1400]  }
0x7f: {  	s26 =	sadd.s32 $0x40, s26  }
0x80: {  	_ =	sdelay $0x6  }
0x81: {  	v1 =	vld.idx.msk [tilespmem:v0+s3+$0x0], $0xffff;
	_ =	sdelay $0x3  }
0x82: {  	s25 =	sshra.s32 s25, $0x2  }
0x83: {  	v2 =	vadd.s32 $0x50, v0;
	[tilespmem:s25+$0x1410] =	vst v1  }
0x84: {  	v63 =	vadd.s32 $0xFFFFEC54, v0;
	[tilespmem:$0x1400] =	vst v2  }
0x85: {  	[tilespmem:$0x1400] =	vst v63  }
0x86: {  	_ =	swait.ge [sflag:s21], $0x8000  }
0x87: {  	[sflag:s21] =	ssyncset.done $0x0  }
0x88: {  	[sflag:s21] =	ssyncadd.s32 $0xFFFF8000  }
0x89: {  	[tilespmem:s17], [sflag:$0x1] =	stream.indirect.gather [spmem:s2], $0x20, s16, s15, $0xb8;
	[tilespmem:$0x14E10] =	vst v63  }
0x8a: {  	_ =	swait.ge [sflag:s22], $0x8000  }
0x8b: {  	[sflag:s22] =	ssyncset.done $0x0  }
0x8c: {  	[sflag:s22] =	ssyncadd.s32 $0xFFFF8000  }
0x8d: {  	[hbm4b:s9+s3] =	stream.linear.scatter [tilespmem:s19], [sflag:$0x4], $0x8000, $0x38;
	[tilespmem:$0x14E10] =	vst v63  }
0x8e: {  	_ =	swait.ge [sflag:s20], $0x8000  }
0x8f: {  	[sflag:s20] =	ssyncset.done $0x0  }
0x90: {  	s24 =	sadd.s32 $0x1, s24;
	[sflag:s20] =	ssyncadd.s32 $0xFFFF8000  }
0x91: {  	[hbm4b:s10+s3] =	stream.linear.scatter [tilespmem:s17], [sflag:$0x3], $0x8000, $0x38;
	[tilespmem:$0x14E10] =	vst v63  }
0x92: {  	p1 =	sne.s32 s24, s11;
	_ =	swait.ge [sflag:s23], $0x8000  }
.Ltmp5:
0x93: {  	[sflag:s23] =	ssyncset.done $0x0;
	(pc) =	sbr.rel @p1 .LBB2_1-.Ltmp5, $4  }
0x94: {  	[sflag:s23] =	ssyncadd.s32 $0xFFFF8000  }
0x95: {  	_ =	swait.ge [sflag:s21], $0x8000  }
0x96: {  	[sflag:s21] =	ssyncset.done $0x0  }
0x97: {  	[sflag:s21] =	ssyncadd.s32 $0xFFFF8000  }
0x98: {  	_ =	sfence.sel $0x180000  }
0x99: {  	[bflag:$0x0] =	sbarrier.arrive $0xFFFF  }
0x9a: {  	_ =	strace $0x90000047  }
0x9b: {  	s0 =	sadd.s32 @!p0 $0x100000, s0;
	[bflag:$0x2] =	sbarrier.arrive $0xFFFF  }
0x9c: {  	[sflag:s0] =	ssyncadd.tile.s32 @!p0 $0x1;
	_ =	shalt  }
.Lfunc_end2:
_tile_overlayer_lowered:
.L_overlay_start_2:
0x9d: {  	(tag) =	ssettag $0x2  }
0x9e: {  	s0 =	rddreg [dreg:$0x0];
	s2 =	stileid.u32  }
0x9f: {  	s1 =	rddreg [dreg:$0x1];
	p0 =	sne.s32 s2, $0x0  }
0xa0: {  	s3 =	rddreg [dreg:$0x2];
	[bflag:$0x3] =	sbarrier.arrive $0xFFFF;
	s2 =	simm.s32 @!p0 $0x1C05  }
0xa1: {  	[timem:s3], [sflag:s2] =	dma.local @!p0 [hbm:s0], s1  }
0xa2: {  	s0 =	simm.s32 @!p0 $0x5  }
0xa3: {  	_ =	swait.ge @!p0 [sflag:s0], s1  }
0xa4: {  	s1 =	ssub.s32 @!p0 $0x0, s1;
	[sflag:s0] =	ssyncset.done @!p0 $0x0  }
0xa5: {  	[sflag:s0] =	ssyncadd.s32 @!p0 s1  }
0xa6: {  	[bflag:$0x3] =	sbarrier.arrive $0xFFFF  }
0xa7: {  	_ =	shalt  }

</sc_bundles>
